<compile_context>
chip_gen: v7x
topology: tpu7x:2x2x1
jax: 0.10.2.dev20260603
libtpu: 0.0.44.dev20260713+nightly
codegen_flags: <defaults>
</compile_context>

<pallas_src>
import functools

import jax
import jax.numpy as jnp
from jax import lax
from jax.experimental import pallas as pl
from jax.experimental.pallas import tpu as pltpu
from jax.experimental.pallas import tpu_sc as plsc

B = 1024
S = 200
E = 64
R = B * S

_info = plsc.get_sparse_core_info()
NC, NS = _info.num_cores, _info.num_subcores
NW = NC * NS
R_PER_W = R // NW
IDX_W = 128
K = 2
CHUNK = IDX_W * K
N_CHUNKS = R_PER_W // CHUNK
IDX_ROWS = R_PER_W // IDX_W

_sc_mesh = plsc.VectorSubcoreMesh(core_axis_name="c", subcore_axis_name="s")


@functools.partial(
    pl.kernel,
    mesh=_sc_mesh,
    out_type=jax.ShapeDtypeStruct((R, 2 * E), jnp.float32),
    scratch_types=[
        pltpu.VMEM((IDX_ROWS, IDX_W), jnp.int32),
        pltpu.VMEM((IDX_ROWS, IDX_W), jnp.int32),
        pltpu.VMEM((2, CHUNK, E), jnp.float32),
        pltpu.VMEM((2, CHUNK, E), jnp.float32),
        pltpu.SemaphoreType.DMA,
        pltpu.SemaphoreType.DMA,
    ],
    compiler_params=pltpu.CompilerParams(use_tc_tiling_on_sc=False),
)
def _sc_gather(table_hbm, ps_hbm, idx_hbm, cidx_hbm, out_hbm,
               idx_v, cidx_v, rows_v, ps_v, sem, semo):
    wid = lax.axis_index("s") * NC + lax.axis_index("c")
    base = wid * R_PER_W
    pltpu.sync_copy(idx_hbm.at[wid], idx_v)
    pltpu.sync_copy(cidx_hbm.at[wid], cidx_v)

    def fire(c, b):
        for j in range(K):
            pltpu.async_copy(
                table_hbm.at[idx_v.at[c * K + j]],
                rows_v.at[b].at[pl.ds(j * IDX_W, IDX_W)],
                sem,
            )
            pltpu.async_copy(
                ps_hbm.at[cidx_v.at[c * K + j]],
                ps_v.at[b].at[pl.ds(j * IDX_W, IDX_W)],
                sem,
            )

    def drain_gathers(b):
        pltpu.make_async_copy(table_hbm.at[idx_v.at[0]], rows_v.at[b], sem).wait()
        pltpu.make_async_copy(ps_hbm.at[cidx_v.at[0]], ps_v.at[b], sem).wait()

    def out_async(c, b):
        pltpu.make_async_copy(
            rows_v.at[b],
            out_hbm.at[pl.ds(base + c * CHUNK, CHUNK), pl.ds(0, E)],
            semo,
        ).start()
        pltpu.make_async_copy(
            ps_v.at[b],
            out_hbm.at[pl.ds(base + c * CHUNK, CHUNK), pl.ds(E, E)],
            semo,
        ).start()

    def drain_out(b):
        pltpu.make_async_copy(
            rows_v.at[b],
            out_hbm.at[pl.ds(base, CHUNK), pl.ds(0, E)],
            semo,
        ).wait()
        pltpu.make_async_copy(
            ps_v.at[b],
            out_hbm.at[pl.ds(base, CHUNK), pl.ds(E, E)],
            semo,
        ).wait()

    fire(0, 0)

    def pair_body(k, carry):
        c0 = k * 2
        fire(c0 + 1, 1)
        drain_gathers(0)
        out_async(c0, 0)
        drain_gathers(1)
        drain_out(0)
        fire(c0 + 2, 0)
        out_async(c0 + 1, 1)
        drain_out(1)
        return carry

    lax.fori_loop(0, (N_CHUNKS - 1) // 2, pair_body, 0)
    drain_gathers(0)
    out_async(N_CHUNKS - 1, 0)
    drain_out(0)


SB = 8
BB = 512


def _ln_body(g_ref, gam_ref, bet_ref, out_ref):
    gam = gam_ref[...].reshape(1, E)
    bet = bet_ref[...].reshape(1, E)
    w = g_ref[...].reshape(BB * SB, 2 * E)
    javg = jnp.full((E, E), 1.0 / E, dtype=jnp.float32)
    cen = jnp.eye(E, dtype=jnp.float32) - javg
    cen2 = jnp.concatenate([cen, cen], axis=0)
    d = jnp.dot(w, cen2, preferred_element_type=jnp.float32)
    var = jnp.dot(d * d, javg, preferred_element_type=jnp.float32)
    normed = d * lax.rsqrt(var + 1e-5)
    res = (normed * gam + bet).reshape(BB, SB, E)
    for k in range(SB):
        out_ref[k, :, :] = res[:, k, :].T


def _tc_layernorm(gwide, gam, bet):
    return pl.pallas_call(
        _ln_body,
        grid=(S // SB, B // BB),
        in_specs=[
            pl.BlockSpec((BB, SB, 2 * E), lambda i, b: (b, i, 0)),
            pl.BlockSpec((1, E), lambda i, b: (0, 0)),
            pl.BlockSpec((1, E), lambda i, b: (0, 0)),
        ],
        out_specs=pl.BlockSpec((SB, E, BB), lambda i, b: (i, 0, b)),
        out_shape=jax.ShapeDtypeStruct((S, E, B), jnp.float32),
    )(gwide, gam, bet)


def kernel(x, segment_ids, token_table, pos_table, seg_table, ln_gamma, ln_beta):
    idx = x.reshape(NW, IDX_ROWS, IDX_W).astype(jnp.int32)
    ps_one = (pos_table[None, :S, :] + seg_table[:, None, :]).reshape(2 * S, E)
    ps_all = jnp.broadcast_to(ps_one[None], (NW, 2 * S, E)).reshape(NW * 2 * S, E)
    cidx = (segment_ids.astype(jnp.int32) * S
            + jnp.arange(S, dtype=jnp.int32)[None, :]).reshape(NW, IDX_ROWS, IDX_W)
    cidx = cidx + (jnp.arange(NW, dtype=jnp.int32) * (2 * S))[:, None, None]
    gathered = _sc_gather(token_table, ps_all, idx, cidx)
    out_t = _tc_layernorm(
        gathered.reshape(B, S, 2 * E),
        ln_gamma.reshape(1, E),
        ln_beta.reshape(1, E),
    )
    return jnp.transpose(out_t, (2, 0, 1))

# --- scband reference (transcript-rebuilt; emitter-appended) ---
"""Pipeline reference for scband-bertembedding-12532714570155 (READ-ONLY COPY).

The authoritative reference and input builder live on the scoring server;
editing this copy changes nothing except your own understanding.
"""

import jax, jax.numpy as jnp
import numpy as np

VOCAB = 1000000
EMBED = 64
MAX_SEQ = 512
B = 1024
S = 200


def setup_inputs(seed: int = 0) -> dict:
    key = jax.random.key(seed)
    k1, k2, k3, k4, k5 = jax.random.split(key, 5)
    x = jax.random.randint(k1, (B, S), 0, VOCAB, dtype=jnp.int64 if jax.config.read('jax_enable_x64') else jnp.int32)
    segment_ids = jax.random.randint(k2, (B, S), 0, 2, dtype=x.dtype)
    token_table = jax.random.normal(k3, (VOCAB, EMBED), dtype=jnp.float32) * 0.02
    pos_table = jax.random.normal(k4, (MAX_SEQ, EMBED), dtype=jnp.float32) * 0.02
    seg_table = jax.random.normal(k5, (2, EMBED), dtype=jnp.float32) * 0.02
    ln_gamma = jnp.ones((EMBED,), dtype=jnp.float32)
    ln_beta = jnp.zeros((EMBED,), dtype=jnp.float32)
    return {"x": x, "segment_ids": segment_ids, "token_table": token_table,
            "pos_table": pos_table, "seg_table": seg_table,
            "ln_gamma": ln_gamma, "ln_beta": ln_beta}


def reference(x, segment_ids, token_table, pos_table, seg_table, ln_gamma, ln_beta):
    seq_len = x.shape[1]
    position_ids = jnp.broadcast_to(jnp.arange(seq_len)[None, :], x.shape)
    token_embeds = jnp.take(token_table, x, axis=0)
    position_embeds = jnp.take(pos_table, position_ids, axis=0)
    segment_embeds = jnp.take(seg_table, segment_ids, axis=0)
    embeddings = token_embeds + position_embeds + segment_embeds
    mean = jnp.mean(embeddings, axis=-1, keepdims=True)
    var = jnp.var(embeddings, axis=-1, keepdims=True)
    normed = (embeddings - mean) / jnp.sqrt(var + 1e-5)
    out = normed * ln_gamma + ln_beta
    # dropout is identity in eval/deterministic mode
    return out

if __name__ == "__main__":
    import jax
    _d = setup_inputs()
    print(jax.jit(kernel)(*tuple(_d.values())))

</pallas_src>

<mosaic_0001>
#map = affine_map<(d0, d1) -> (0, 0)>
#map1 = affine_map<(d0, d1) -> (0, 0, 0)>
module attributes {stable_mosaic.version = 14 : i64} {
  func.func @_sc_gather(%arg0: i32, %arg1: i32, %arg2: memref<1000000x64xf32, #tpu.memory_space<hbm>>, %arg3: memref<12800x64xf32, #tpu.memory_space<hbm>>, %arg4: memref<32x50x128xi32, #tpu.memory_space<hbm>>, %arg5: memref<32x50x128xi32, #tpu.memory_space<hbm>>, %arg6: memref<204800x128xf32, #tpu.memory_space<hbm>>, %arg7: memref<50x128xi32, #tpu.memory_space<vmem>>, %arg8: memref<50x128xi32, #tpu.memory_space<vmem>>, %arg9: memref<2x256x64xf32, #tpu.memory_space<vmem>>, %arg10: memref<2x256x64xf32, #tpu.memory_space<vmem>>, %arg11: memref<!tpu.dma_semaphore, #tpu.memory_space<semaphore_mem>>, %arg12: memref<!tpu.dma_semaphore, #tpu.memory_space<semaphore_mem>>) attributes {dimension_semantics = [#tpu.dimension_semantics<core_parallel>, #tpu.dimension_semantics<subcore_parallel>], iteration_bounds = array<i64: 2, 16>, scalar_prefetch = 0 : i64, scratch_operands = 6 : i64, tpu.core_type = #tpu.core_type<sc_vector_subcore>, window_params = [{transform_indices = #map}, {transform_indices = #map}, {transform_indices = #map1}, {transform_indices = #map1}, {transform_indices = #map}]} {
    %mul3A = arith.constant 2 : i32
    %mul3A_0 = arith.muli %arg1, %mul3A : i32
    %add3A = arith.addi %mul3A_0, %arg0 : i32
    %mul3A_1 = arith.constant 6400 : i32
    %mul3A_2 = arith.muli %add3A, %mul3A_1 : i32
    "tpu.region"() ({
      %run_scoped3A = tpu.sem_alloc : memref<!tpu.dma_semaphore, #tpu.memory_space<semaphore_mem>>
      %dma_start3A_146 = arith.constant 0 : i32
      %dma_start3A_147 = arith.constant 0 : i32
      %dma_start3A_148 = tpu.memref_slice %arg4[%add3A, %dma_start3A_146, %dma_start3A_147] : memref<32x50x128xi32, #tpu.memory_space<hbm>> -> memref<1x50x128xi32, #tpu.memory_space<hbm>>
      %dma_start3A_149 = tpu.memref_squeeze %dma_start3A_148 : memref<1x50x128xi32, #tpu.memory_space<hbm>> -> memref<50x128xi32, #tpu.memory_space<hbm>>
      %dma_start3A_150 = arith.constant 0 : i32
      %dma_start3A_151 = arith.constant 0 : i32
      %dma_start3A_152 = tpu.memref_slice %arg4[%add3A, %dma_start3A_150, %dma_start3A_151] : memref<32x50x128xi32, #tpu.memory_space<hbm>> -> memref<1x50x128xi32, #tpu.memory_space<hbm>>
      %dma_start3A_153 = tpu.memref_squeeze %dma_start3A_152 : memref<1x50x128xi32, #tpu.memory_space<hbm>> -> memref<50x128xi32, #tpu.memory_space<hbm>>
      tpu.enqueue_dma source(%dma_start3A_153 : memref<50x128xi32, #tpu.memory_space<hbm>>) target(%arg7 : memref<50x128xi32, #tpu.memory_space<vmem>>) target_semaphore(%run_scoped3A : memref<!tpu.dma_semaphore, #tpu.memory_space<semaphore_mem>>)
      %dma_wait3A_154 = arith.constant 0 : i32
      %dma_wait3A_155 = arith.constant 0 : i32
      %dma_wait3A_156 = tpu.memref_slice %arg4[%add3A, %dma_wait3A_154, %dma_wait3A_155] : memref<32x50x128xi32, #tpu.memory_space<hbm>> -> memref<1x50x128xi32, #tpu.memory_space<hbm>>
      %dma_wait3A_157 = tpu.memref_squeeze %dma_wait3A_156 : memref<1x50x128xi32, #tpu.memory_space<hbm>> -> memref<50x128xi32, #tpu.memory_space<hbm>>
      %dma_wait3A_158 = arith.constant 0 : i32
      %dma_wait3A_159 = arith.constant 0 : i32
      %dma_wait3A_160 = tpu.memref_slice %arg4[%add3A, %dma_wait3A_158, %dma_wait3A_159] : memref<32x50x128xi32, #tpu.memory_space<hbm>> -> memref<1x50x128xi32, #tpu.memory_space<hbm>>
      %dma_wait3A_161 = tpu.memref_squeeze %dma_wait3A_160 : memref<1x50x128xi32, #tpu.memory_space<hbm>> -> memref<50x128xi32, #tpu.memory_space<hbm>>
      tpu.wait_dma2 semaphore(%run_scoped3A : memref<!tpu.dma_semaphore, #tpu.memory_space<semaphore_mem>>) src(%dma_wait3A_161 : memref<50x128xi32, #tpu.memory_space<hbm>>) dst(%arg7 : memref<50x128xi32, #tpu.memory_space<vmem>>)
      tpu.yield
    }) : () -> ()
    "tpu.region"() ({
      %run_scoped3A = tpu.sem_alloc : memref<!tpu.dma_semaphore, #tpu.memory_space<semaphore_mem>>
      %dma_start3A_146 = arith.constant 0 : i32
      %dma_start3A_147 = arith.constant 0 : i32
      %dma_start3A_148 = tpu.memref_slice %arg5[%add3A, %dma_start3A_146, %dma_start3A_147] : memref<32x50x128xi32, #tpu.memory_space<hbm>> -> memref<1x50x128xi32, #tpu.memory_space<hbm>>
      %dma_start3A_149 = tpu.memref_squeeze %dma_start3A_148 : memref<1x50x128xi32, #tpu.memory_space<hbm>> -> memref<50x128xi32, #tpu.memory_space<hbm>>
      %dma_start3A_150 = arith.constant 0 : i32
      %dma_start3A_151 = arith.constant 0 : i32
      %dma_start3A_152 = tpu.memref_slice %arg5[%add3A, %dma_start3A_150, %dma_start3A_151] : memref<32x50x128xi32, #tpu.memory_space<hbm>> -> memref<1x50x128xi32, #tpu.memory_space<hbm>>
      %dma_start3A_153 = tpu.memref_squeeze %dma_start3A_152 : memref<1x50x128xi32, #tpu.memory_space<hbm>> -> memref<50x128xi32, #tpu.memory_space<hbm>>
      tpu.enqueue_dma source(%dma_start3A_153 : memref<50x128xi32, #tpu.memory_space<hbm>>) target(%arg8 : memref<50x128xi32, #tpu.memory_space<vmem>>) target_semaphore(%run_scoped3A : memref<!tpu.dma_semaphore, #tpu.memory_space<semaphore_mem>>)
      %dma_wait3A_154 = arith.constant 0 : i32
      %dma_wait3A_155 = arith.constant 0 : i32
      %dma_wait3A_156 = tpu.memref_slice %arg5[%add3A, %dma_wait3A_154, %dma_wait3A_155] : memref<32x50x128xi32, #tpu.memory_space<hbm>> -> memref<1x50x128xi32, #tpu.memory_space<hbm>>
      %dma_wait3A_157 = tpu.memref_squeeze %dma_wait3A_156 : memref<1x50x128xi32, #tpu.memory_space<hbm>> -> memref<50x128xi32, #tpu.memory_space<hbm>>
      %dma_wait3A_158 = arith.constant 0 : i32
      %dma_wait3A_159 = arith.constant 0 : i32
      %dma_wait3A_160 = tpu.memref_slice %arg5[%add3A, %dma_wait3A_158, %dma_wait3A_159] : memref<32x50x128xi32, #tpu.memory_space<hbm>> -> memref<1x50x128xi32, #tpu.memory_space<hbm>>
      %dma_wait3A_161 = tpu.memref_squeeze %dma_wait3A_160 : memref<1x50x128xi32, #tpu.memory_space<hbm>> -> memref<50x128xi32, #tpu.memory_space<hbm>>
      tpu.wait_dma2 semaphore(%run_scoped3A : memref<!tpu.dma_semaphore, #tpu.memory_space<semaphore_mem>>) src(%dma_wait3A_161 : memref<50x128xi32, #tpu.memory_space<hbm>>) dst(%arg8 : memref<50x128xi32, #tpu.memory_space<vmem>>)
      tpu.yield
    }) : () -> ()
    %dma_start3A = arith.constant 0 : i32
    %dma_start3A_3 = arith.constant 0 : i32
    %dma_start3A_4 = arith.constant 0 : i32
    %dma_start3A_5 = arith.constant 0 : i32
    %dma_start3A_6 = tpu.memref_slice %arg9[%dma_start3A_3, %dma_start3A_4, %dma_start3A_5] : memref<2x256x64xf32, #tpu.memory_space<vmem>> -> memref<1x256x64xf32, #tpu.memory_space<vmem>>
    %dma_start3A_7 = tpu.memref_squeeze %dma_start3A_6 : memref<1x256x64xf32, #tpu.memory_space<vmem>> -> memref<256x64xf32, #tpu.memory_space<vmem>>
    %dma_start3A_8 = arith.constant 0 : i32
    %dma_start3A_9 = arith.constant 0 : i32
    %dma_start3A_10 = tpu.memref_slice %dma_start3A_7[%dma_start3A_8, %dma_start3A_9] : memref<256x64xf32, #tpu.memory_space<vmem>> -> memref<128x64xf32, #tpu.memory_space<vmem>>
    %dma_start3A_11 = arith.constant 0 : i32
    %dma_start3A_12 = tpu.memref_slice %arg7[%dma_start3A, %dma_start3A_11] : memref<50x128xi32, #tpu.memory_space<vmem>> -> memref<1x128xi32, #tpu.memory_space<vmem>>
    %dma_start3A_13 = tpu.memref_squeeze %dma_start3A_12 : memref<1x128xi32, #tpu.memory_space<vmem>> -> memref<128xi32, #tpu.memory_space<vmem>>
    %dma_start3A_14 = arith.constant 0 : i32
    %dma_start3A_15 = arith.constant 0 : i32
    %dma_start3A_16 = tpu.memref_slice %arg2[%dma_start3A_14, %dma_start3A_15] : memref<1000000x64xf32, #tpu.memory_space<hbm>> -> memref<1000000x64xf32, #tpu.memory_space<hbm>>
    tpu.enqueue_indirect_dma source(%dma_start3A_16 : memref<1000000x64xf32, #tpu.memory_space<hbm>>) target(%dma_start3A_10 : memref<128x64xf32, #tpu.memory_space<vmem>>) offsets(%dma_start3A_13 : memref<128xi32, #tpu.memory_space<vmem>>) semaphore(%arg11 : memref<!tpu.dma_semaphore, #tpu.memory_space<semaphore_mem>>)
    %dma_start3A_17 = arith.constant 0 : i32
    %dma_start3A_18 = arith.constant 0 : i32
    %dma_start3A_19 = arith.constant 0 : i32
    %dma_start3A_20 = arith.constant 0 : i32
    %dma_start3A_21 = tpu.memref_slice %arg10[%dma_start3A_18, %dma_start3A_19, %dma_start3A_20] : memref<2x256x64xf32, #tpu.memory_space<vmem>> -> memref<1x256x64xf32, #tpu.memory_space<vmem>>
    %dma_start3A_22 = tpu.memref_squeeze %dma_start3A_21 : memref<1x256x64xf32, #tpu.memory_space<vmem>> -> memref<256x64xf32, #tpu.memory_space<vmem>>
    %dma_start3A_23 = arith.constant 0 : i32
    %dma_start3A_24 = arith.constant 0 : i32
    %dma_start3A_25 = tpu.memref_slice %dma_start3A_22[%dma_start3A_23, %dma_start3A_24] : memref<256x64xf32, #tpu.memory_space<vmem>> -> memref<128x64xf32, #tpu.memory_space<vmem>>
    %dma_start3A_26 = arith.constant 0 : i32
    %dma_start3A_27 = tpu.memref_slice %arg8[%dma_start3A_17, %dma_start3A_26] : memref<50x128xi32, #tpu.memory_space<vmem>> -> memref<1x128xi32, #tpu.memory_space<vmem>>
    %dma_start3A_28 = tpu.memref_squeeze %dma_start3A_27 : memref<1x128xi32, #tpu.memory_space<vmem>> -> memref<128xi32, #tpu.memory_space<vmem>>
    %dma_start3A_29 = arith.constant 0 : i32
    %dma_start3A_30 = arith.constant 0 : i32
    %dma_start3A_31 = tpu.memref_slice %arg3[%dma_start3A_29, %dma_start3A_30] : memref<12800x64xf32, #tpu.memory_space<hbm>> -> memref<12800x64xf32, #tpu.memory_space<hbm>>
    tpu.enqueue_indirect_dma source(%dma_start3A_31 : memref<12800x64xf32, #tpu.memory_space<hbm>>) target(%dma_start3A_25 : memref<128x64xf32, #tpu.memory_space<vmem>>) offsets(%dma_start3A_28 : memref<128xi32, #tpu.memory_space<vmem>>) semaphore(%arg11 : memref<!tpu.dma_semaphore, #tpu.memory_space<semaphore_mem>>)
    %dma_start3A_32 = arith.constant 1 : i32
    %dma_start3A_33 = arith.constant 0 : i32
    %dma_start3A_34 = arith.constant 0 : i32
    %dma_start3A_35 = arith.constant 0 : i32
    %dma_start3A_36 = tpu.memref_slice %arg9[%dma_start3A_33, %dma_start3A_34, %dma_start3A_35] : memref<2x256x64xf32, #tpu.memory_space<vmem>> -> memref<1x256x64xf32, #tpu.memory_space<vmem>>
    %dma_start3A_37 = tpu.memref_squeeze %dma_start3A_36 : memref<1x256x64xf32, #tpu.memory_space<vmem>> -> memref<256x64xf32, #tpu.memory_space<vmem>>
    %dma_start3A_38 = arith.constant 128 : i32
    %dma_start3A_39 = arith.constant 0 : i32
    %dma_start3A_40 = tpu.memref_slice %dma_start3A_37[%dma_start3A_38, %dma_start3A_39] : memref<256x64xf32, #tpu.memory_space<vmem>> -> memref<128x64xf32, #tpu.memory_space<vmem>>
    %dma_start3A_41 = arith.constant 0 : i32
    %dma_start3A_42 = tpu.memref_slice %arg7[%dma_start3A_32, %dma_start3A_41] : memref<50x128xi32, #tpu.memory_space<vmem>> -> memref<1x128xi32, #tpu.memory_space<vmem>>
    %dma_start3A_43 = tpu.memref_squeeze %dma_start3A_42 : memref<1x128xi32, #tpu.memory_space<vmem>> -> memref<128xi32, #tpu.memory_space<vmem>>
    %dma_start3A_44 = arith.constant 0 : i32
    %dma_start3A_45 = arith.constant 0 : i32
    %dma_start3A_46 = tpu.memref_slice %arg2[%dma_start3A_44, %dma_start3A_45] : memref<1000000x64xf32, #tpu.memory_space<hbm>> -> memref<1000000x64xf32, #tpu.memory_space<hbm>>
    tpu.enqueue_indirect_dma source(%dma_start3A_46 : memref<1000000x64xf32, #tpu.memory_space<hbm>>) target(%dma_start3A_40 : memref<128x64xf32, #tpu.memory_space<vmem>>) offsets(%dma_start3A_43 : memref<128xi32, #tpu.memory_space<vmem>>) semaphore(%arg11 : memref<!tpu.dma_semaphore, #tpu.memory_space<semaphore_mem>>)
    %dma_start3A_47 = arith.constant 1 : i32
    %dma_start3A_48 = arith.constant 0 : i32
    %dma_start3A_49 = arith.constant 0 : i32
    %dma_start3A_50 = arith.constant 0 : i32
    %dma_start3A_51 = tpu.memref_slice %arg10[%dma_start3A_48, %dma_start3A_49, %dma_start3A_50] : memref<2x256x64xf32, #tpu.memory_space<vmem>> -> memref<1x256x64xf32, #tpu.memory_space<vmem>>
    %dma_start3A_52 = tpu.memref_squeeze %dma_start3A_51 : memref<1x256x64xf32, #tpu.memory_space<vmem>> -> memref<256x64xf32, #tpu.memory_space<vmem>>
    %dma_start3A_53 = arith.constant 128 : i32
    %dma_start3A_54 = arith.constant 0 : i32
    %dma_start3A_55 = tpu.memref_slice %dma_start3A_52[%dma_start3A_53, %dma_start3A_54] : memref<256x64xf32, #tpu.memory_space<vmem>> -> memref<128x64xf32, #tpu.memory_space<vmem>>
    %dma_start3A_56 = arith.constant 0 : i32
    %dma_start3A_57 = tpu.memref_slice %arg8[%dma_start3A_47, %dma_start3A_56] : memref<50x128xi32, #tpu.memory_space<vmem>> -> memref<1x128xi32, #tpu.memory_space<vmem>>
    %dma_start3A_58 = tpu.memref_squeeze %dma_start3A_57 : memref<1x128xi32, #tpu.memory_space<vmem>> -> memref<128xi32, #tpu.memory_space<vmem>>
    %dma_start3A_59 = arith.constant 0 : i32
    %dma_start3A_60 = arith.constant 0 : i32
    %dma_start3A_61 = tpu.memref_slice %arg3[%dma_start3A_59, %dma_start3A_60] : memref<12800x64xf32, #tpu.memory_space<hbm>> -> memref<12800x64xf32, #tpu.memory_space<hbm>>
    tpu.enqueue_indirect_dma source(%dma_start3A_61 : memref<12800x64xf32, #tpu.memory_space<hbm>>) target(%dma_start3A_55 : memref<128x64xf32, #tpu.memory_space<vmem>>) offsets(%dma_start3A_58 : memref<128xi32, #tpu.memory_space<vmem>>) semaphore(%arg11 : memref<!tpu.dma_semaphore, #tpu.memory_space<semaphore_mem>>)
    %scan3A = arith.constant 0 : i32
    %scan3A_62 = arith.constant 0 : i32
    %scan3A_63 = arith.constant 12 : i32
    %scan3A_64 = arith.addi %scan3A_62, %scan3A_63 : i32
    %scan3A_65 = arith.constant 1 : i32
    scf.for %scan3A_146 = %scan3A_62 to %scan3A_64 step %scan3A_65  : i32 {
      %mul3A_147 = arith.constant 2 : i32
      %mul3A_148 = arith.muli %scan3A_146, %mul3A_147 : i32
      %add3A_149 = arith.constant 1 : i32
      %add3A_150 = arith.addi %mul3A_148, %add3A_149 : i32
      %mul3A_151 = arith.constant 2 : i32
      %mul3A_152 = arith.muli %add3A_150, %mul3A_151 : i32
      %add3A_153 = arith.constant 0 : i32
      %add3A_154 = arith.addi %mul3A_152, %add3A_153 : i32
      %dma_start3A_155 = arith.constant 1 : i32
      %dma_start3A_156 = arith.constant 0 : i32
      %dma_start3A_157 = arith.constant 0 : i32
      %dma_start3A_158 = tpu.memref_slice %arg9[%dma_start3A_155, %dma_start3A_156, %dma_start3A_157] : memref<2x256x64xf32, #tpu.memory_space<vmem>> -> memref<1x256x64xf32, #tpu.memory_space<vmem>>
      %dma_start3A_159 = tpu.memref_squeeze %dma_start3A_158 : memref<1x256x64xf32, #tpu.memory_space<vmem>> -> memref<256x64xf32, #tpu.memory_space<vmem>>
      %dma_start3A_160 = arith.constant 0 : i32
      %dma_start3A_161 = arith.constant 0 : i32
      %dma_start3A_162 = tpu.memref_slice %dma_start3A_159[%dma_start3A_160, %dma_start3A_161] : memref<256x64xf32, #tpu.memory_space<vmem>> -> memref<128x64xf32, #tpu.memory_space<vmem>>
      %dma_start3A_163 = arith.constant 0 : i32
      %dma_start3A_164 = tpu.memref_slice %arg7[%add3A_154, %dma_start3A_163] : memref<50x128xi32, #tpu.memory_space<vmem>> -> memref<1x128xi32, #tpu.memory_space<vmem>>
      %dma_start3A_165 = tpu.memref_squeeze %dma_start3A_164 : memref<1x128xi32, #tpu.memory_space<vmem>> -> memref<128xi32, #tpu.memory_space<vmem>>
      %dma_start3A_166 = arith.constant 0 : i32
      %dma_start3A_167 = arith.constant 0 : i32
      %dma_start3A_168 = tpu.memref_slice %arg2[%dma_start3A_166, %dma_start3A_167] : memref<1000000x64xf32, #tpu.memory_space<hbm>> -> memref<1000000x64xf32, #tpu.memory_space<hbm>>
      tpu.enqueue_indirect_dma source(%dma_start3A_168 : memref<1000000x64xf32, #tpu.memory_space<hbm>>) target(%dma_start3A_162 : memref<128x64xf32, #tpu.memory_space<vmem>>) offsets(%dma_start3A_165 : memref<128xi32, #tpu.memory_space<vmem>>) semaphore(%arg11 : memref<!tpu.dma_semaphore, #tpu.memory_space<semaphore_mem>>)
      %mul3A_169 = arith.constant 2 : i32
      %mul3A_170 = arith.muli %add3A_150, %mul3A_169 : i32
      %add3A_171 = arith.constant 0 : i32
      %add3A_172 = arith.addi %mul3A_170, %add3A_171 : i32
      %dma_start3A_173 = arith.constant 1 : i32
      %dma_start3A_174 = arith.constant 0 : i32
      %dma_start3A_175 = arith.constant 0 : i32
      %dma_start3A_176 = tpu.memref_slice %arg10[%dma_start3A_173, %dma_start3A_174, %dma_start3A_175] : memref<2x256x64xf32, #tpu.memory_space<vmem>> -> memref<1x256x64xf32, #tpu.memory_space<vmem>>
      %dma_start3A_177 = tpu.memref_squeeze %dma_start3A_176 : memref<1x256x64xf32, #tpu.memory_space<vmem>> -> memref<256x64xf32, #tpu.memory_space<vmem>>
      %dma_start3A_178 = arith.constant 0 : i32
      %dma_start3A_179 = arith.constant 0 : i32
      %dma_start3A_180 = tpu.memref_slice %dma_start3A_177[%dma_start3A_178, %dma_start3A_179] : memref<256x64xf32, #tpu.memory_space<vmem>> -> memref<128x64xf32, #tpu.memory_space<vmem>>
      %dma_start3A_181 = arith.constant 0 : i32
      %dma_start3A_182 = tpu.memref_slice %arg8[%add3A_172, %dma_start3A_181] : memref<50x128xi32, #tpu.memory_space<vmem>> -> memref<1x128xi32, #tpu.memory_space<vmem>>
      %dma_start3A_183 = tpu.memref_squeeze %dma_start3A_182 : memref<1x128xi32, #tpu.memory_space<vmem>> -> memref<128xi32, #tpu.memory_space<vmem>>
      %dma_start3A_184 = arith.constant 0 : i32
      %dma_start3A_185 = arith.constant 0 : i32
      %dma_start3A_186 = tpu.memref_slice %arg3[%dma_start3A_184, %dma_start3A_185] : memref<12800x64xf32, #tpu.memory_space<hbm>> -> memref<12800x64xf32, #tpu.memory_space<hbm>>
      tpu.enqueue_indirect_dma source(%dma_start3A_186 : memref<12800x64xf32, #tpu.memory_space<hbm>>) target(%dma_start3A_180 : memref<128x64xf32, #tpu.memory_space<vmem>>) offsets(%dma_start3A_183 : memref<128xi32, #tpu.memory_space<vmem>>) semaphore(%arg11 : memref<!tpu.dma_semaphore, #tpu.memory_space<semaphore_mem>>)
      %mul3A_187 = arith.constant 2 : i32
      %mul3A_188 = arith.muli %add3A_150, %mul3A_187 : i32
      %add3A_189 = arith.constant 1 : i32
      %add3A_190 = arith.addi %mul3A_188, %add3A_189 : i32
      %dma_start3A_191 = arith.constant 1 : i32
      %dma_start3A_192 = arith.constant 0 : i32
      %dma_start3A_193 = arith.constant 0 : i32
      %dma_start3A_194 = tpu.memref_slice %arg9[%dma_start3A_191, %dma_start3A_192, %dma_start3A_193] : memref<2x256x64xf32, #tpu.memory_space<vmem>> -> memref<1x256x64xf32, #tpu.memory_space<vmem>>
      %dma_start3A_195 = tpu.memref_squeeze %dma_start3A_194 : memref<1x256x64xf32, #tpu.memory_space<vmem>> -> memref<256x64xf32, #tpu.memory_space<vmem>>
      %dma_start3A_196 = arith.constant 128 : i32
      %dma_start3A_197 = arith.constant 0 : i32
      %dma_start3A_198 = tpu.memref_slice %dma_start3A_195[%dma_start3A_196, %dma_start3A_197] : memref<256x64xf32, #tpu.memory_space<vmem>> -> memref<128x64xf32, #tpu.memory_space<vmem>>
      %dma_start3A_199 = arith.constant 0 : i32
      %dma_start3A_200 = tpu.memref_slice %arg7[%add3A_190, %dma_start3A_199] : memref<50x128xi32, #tpu.memory_space<vmem>> -> memref<1x128xi32, #tpu.memory_space<vmem>>
      %dma_start3A_201 = tpu.memref_squeeze %dma_start3A_200 : memref<1x128xi32, #tpu.memory_space<vmem>> -> memref<128xi32, #tpu.memory_space<vmem>>
      %dma_start3A_202 = arith.constant 0 : i32
      %dma_start3A_203 = arith.constant 0 : i32
      %dma_start3A_204 = tpu.memref_slice %arg2[%dma_start3A_202, %dma_start3A_203] : memref<1000000x64xf32, #tpu.memory_space<hbm>> -> memref<1000000x64xf32, #tpu.memory_space<hbm>>
      tpu.enqueue_indirect_dma source(%dma_start3A_204 : memref<1000000x64xf32, #tpu.memory_space<hbm>>) target(%dma_start3A_198 : memref<128x64xf32, #tpu.memory_space<vmem>>) offsets(%dma_start3A_201 : memref<128xi32, #tpu.memory_space<vmem>>) semaphore(%arg11 : memref<!tpu.dma_semaphore, #tpu.memory_space<semaphore_mem>>)
      %mul3A_205 = arith.constant 2 : i32
      %mul3A_206 = arith.muli %add3A_150, %mul3A_205 : i32
      %add3A_207 = arith.constant 1 : i32
      %add3A_208 = arith.addi %mul3A_206, %add3A_207 : i32
      %dma_start3A_209 = arith.constant 1 : i32
      %dma_start3A_210 = arith.constant 0 : i32
      %dma_start3A_211 = arith.constant 0 : i32
      %dma_start3A_212 = tpu.memref_slice %arg10[%dma_start3A_209, %dma_start3A_210, %dma_start3A_211] : memref<2x256x64xf32, #tpu.memory_space<vmem>> -> memref<1x256x64xf32, #tpu.memory_space<vmem>>
      %dma_start3A_213 = tpu.memref_squeeze %dma_start3A_212 : memref<1x256x64xf32, #tpu.memory_space<vmem>> -> memref<256x64xf32, #tpu.memory_space<vmem>>
      %dma_start3A_214 = arith.constant 128 : i32
      %dma_start3A_215 = arith.constant 0 : i32
      %dma_start3A_216 = tpu.memref_slice %dma_start3A_213[%dma_start3A_214, %dma_start3A_215] : memref<256x64xf32, #tpu.memory_space<vmem>> -> memref<128x64xf32, #tpu.memory_space<vmem>>
      %dma_start3A_217 = arith.constant 0 : i32
      %dma_start3A_218 = tpu.memref_slice %arg8[%add3A_208, %dma_start3A_217] : memref<50x128xi32, #tpu.memory_space<vmem>> -> memref<1x128xi32, #tpu.memory_space<vmem>>
      %dma_start3A_219 = tpu.memref_squeeze %dma_start3A_218 : memref<1x128xi32, #tpu.memory_space<vmem>> -> memref<128xi32, #tpu.memory_space<vmem>>
      %dma_start3A_220 = arith.constant 0 : i32
      %dma_start3A_221 = arith.constant 0 : i32
      %dma_start3A_222 = tpu.memref_slice %arg3[%dma_start3A_220, %dma_start3A_221] : memref<12800x64xf32, #tpu.memory_space<hbm>> -> memref<12800x64xf32, #tpu.memory_space<hbm>>
      tpu.enqueue_indirect_dma source(%dma_start3A_222 : memref<12800x64xf32, #tpu.memory_space<hbm>>) target(%dma_start3A_216 : memref<128x64xf32, #tpu.memory_space<vmem>>) offsets(%dma_start3A_219 : memref<128xi32, #tpu.memory_space<vmem>>) semaphore(%arg11 : memref<!tpu.dma_semaphore, #tpu.memory_space<semaphore_mem>>)
      %dma_wait3A_223 = arith.constant 0 : i32
      %dma_wait3A_224 = arith.constant 0 : i32
      %dma_wait3A_225 = arith.constant 0 : i32
      %dma_wait3A_226 = arith.constant 0 : i32
      %dma_wait3A_227 = tpu.memref_slice %arg9[%dma_wait3A_224, %dma_wait3A_225, %dma_wait3A_226] : memref<2x256x64xf32, #tpu.memory_space<vmem>> -> memref<1x256x64xf32, #tpu.memory_space<vmem>>
      %dma_wait3A_228 = tpu.memref_squeeze %dma_wait3A_227 : memref<1x256x64xf32, #tpu.memory_space<vmem>> -> memref<256x64xf32, #tpu.memory_space<vmem>>
      %dma_wait3A_229 = arith.constant 0 : i32
      %dma_wait3A_230 = tpu.memref_slice %arg7[%dma_wait3A_223, %dma_wait3A_229] : memref<50x128xi32, #tpu.memory_space<vmem>> -> memref<1x128xi32, #tpu.memory_space<vmem>>
      %dma_wait3A_231 = tpu.memref_squeeze %dma_wait3A_230 : memref<1x128xi32, #tpu.memory_space<vmem>> -> memref<128xi32, #tpu.memory_space<vmem>>
      %dma_wait3A_232 = arith.constant 0 : i32
      %dma_wait3A_233 = arith.constant 0 : i32
      %dma_wait3A_234 = tpu.memref_slice %arg2[%dma_wait3A_232, %dma_wait3A_233] : memref<1000000x64xf32, #tpu.memory_space<hbm>> -> memref<1000000x64xf32, #tpu.memory_space<hbm>>
      tpu.wait_indirect_dma semaphore(%arg11 : memref<!tpu.dma_semaphore, #tpu.memory_space<semaphore_mem>>) src(%dma_wait3A_234 : memref<1000000x64xf32, #tpu.memory_space<hbm>>) dst(%dma_wait3A_228 : memref<256x64xf32, #tpu.memory_space<vmem>>)
      %dma_wait3A_235 = arith.constant 0 : i32
      %dma_wait3A_236 = arith.constant 0 : i32
      %dma_wait3A_237 = arith.constant 0 : i32
      %dma_wait3A_238 = arith.constant 0 : i32
      %dma_wait3A_239 = tpu.memref_slice %arg10[%dma_wait3A_236, %dma_wait3A_237, %dma_wait3A_238] : memref<2x256x64xf32, #tpu.memory_space<vmem>> -> memref<1x256x64xf32, #tpu.memory_space<vmem>>
      %dma_wait3A_240 = tpu.memref_squeeze %dma_wait3A_239 : memref<1x256x64xf32, #tpu.memory_space<vmem>> -> memref<256x64xf32, #tpu.memory_space<vmem>>
      %dma_wait3A_241 = arith.constant 0 : i32
      %dma_wait3A_242 = tpu.memref_slice %arg8[%dma_wait3A_235, %dma_wait3A_241] : memref<50x128xi32, #tpu.memory_space<vmem>> -> memref<1x128xi32, #tpu.memory_space<vmem>>
      %dma_wait3A_243 = tpu.memref_squeeze %dma_wait3A_242 : memref<1x128xi32, #tpu.memory_space<vmem>> -> memref<128xi32, #tpu.memory_space<vmem>>
      %dma_wait3A_244 = arith.constant 0 : i32
      %dma_wait3A_245 = arith.constant 0 : i32
      %dma_wait3A_246 = tpu.memref_slice %arg3[%dma_wait3A_244, %dma_wait3A_245] : memref<12800x64xf32, #tpu.memory_space<hbm>> -> memref<12800x64xf32, #tpu.memory_space<hbm>>
      tpu.wait_indirect_dma semaphore(%arg11 : memref<!tpu.dma_semaphore, #tpu.memory_space<semaphore_mem>>) src(%dma_wait3A_246 : memref<12800x64xf32, #tpu.memory_space<hbm>>) dst(%dma_wait3A_240 : memref<256x64xf32, #tpu.memory_space<vmem>>)
      %mul3A_247 = arith.constant 256 : i32
      %mul3A_248 = arith.muli %mul3A_148, %mul3A_247 : i32
      %add3A_249 = arith.addi %mul3A_2, %mul3A_248 : i32
      %dma_start3A_250 = arith.constant 0 : i32
      %dma_start3A_251 = arith.constant 0 : i32
      %dma_start3A_252 = arith.constant 0 : i32
      %dma_start3A_253 = tpu.memref_slice %arg9[%dma_start3A_250, %dma_start3A_251, %dma_start3A_252] : memref<2x256x64xf32, #tpu.memory_space<vmem>> -> memref<1x256x64xf32, #tpu.memory_space<vmem>>
      %dma_start3A_254 = tpu.memref_squeeze %dma_start3A_253 : memref<1x256x64xf32, #tpu.memory_space<vmem>> -> memref<256x64xf32, #tpu.memory_space<vmem>>
      %dma_start3A_255 = arith.constant 0 : i32
      %dma_start3A_256 = tpu.memref_slice %arg6[%add3A_249, %dma_start3A_255] : memref<204800x128xf32, #tpu.memory_space<hbm>> -> memref<256x64xf32, #tpu.memory_space<hbm>>
      %dma_start3A_257 = arith.constant 0 : i32
      %dma_start3A_258 = tpu.memref_slice %arg6[%add3A_249, %dma_start3A_257] : memref<204800x128xf32, #tpu.memory_space<hbm>> -> memref<256x64xf32, #tpu.memory_space<hbm>>
      %dma_start3A_259 = arith.constant 0 : i32
      %dma_start3A_260 = arith.constant 0 : i32
      %dma_start3A_261 = tpu.memref_slice %arg9[%dma_start3A_250, %dma_start3A_259, %dma_start3A_260] : memref<2x256x64xf32, #tpu.memory_space<vmem>> -> memref<1x256x64xf32, #tpu.memory_space<vmem>>
      %dma_start3A_262 = tpu.memref_squeeze %dma_start3A_261 : memref<1x256x64xf32, #tpu.memory_space<vmem>> -> memref<256x64xf32, #tpu.memory_space<vmem>>
      tpu.enqueue_dma source(%dma_start3A_262 : memref<256x64xf32, #tpu.memory_space<vmem>>) target(%dma_start3A_258 : memref<256x64xf32, #tpu.memory_space<hbm>>) target_semaphore(%arg12 : memref<!tpu.dma_semaphore, #tpu.memory_space<semaphore_mem>>)
      %mul3A_263 = arith.constant 256 : i32
      %mul3A_264 = arith.muli %mul3A_148, %mul3A_263 : i32
      %add3A_265 = arith.addi %mul3A_2, %mul3A_264 : i32
      %dma_start3A_266 = arith.constant 0 : i32
      %dma_start3A_267 = arith.constant 0 : i32
      %dma_start3A_268 = arith.constant 0 : i32
      %dma_start3A_269 = tpu.memref_slice %arg10[%dma_start3A_266, %dma_start3A_267, %dma_start3A_268] : memref<2x256x64xf32, #tpu.memory_space<vmem>> -> memref<1x256x64xf32, #tpu.memory_space<vmem>>
      %dma_start3A_270 = tpu.memref_squeeze %dma_start3A_269 : memref<1x256x64xf32, #tpu.memory_space<vmem>> -> memref<256x64xf32, #tpu.memory_space<vmem>>
      %dma_start3A_271 = arith.constant 64 : i32
      %dma_start3A_272 = tpu.memref_slice %arg6[%add3A_265, %dma_start3A_271] : memref<204800x128xf32, #tpu.memory_space<hbm>> -> memref<256x64xf32, #tpu.memory_space<hbm>>
      %dma_start3A_273 = arith.constant 64 : i32
      %dma_start3A_274 = tpu.memref_slice %arg6[%add3A_265, %dma_start3A_273] : memref<204800x128xf32, #tpu.memory_space<hbm>> -> memref<256x64xf32, #tpu.memory_space<hbm>>
      %dma_start3A_275 = arith.constant 0 : i32
      %dma_start3A_276 = arith.constant 0 : i32
      %dma_start3A_277 = tpu.memref_slice %arg10[%dma_start3A_266, %dma_start3A_275, %dma_start3A_276] : memref<2x256x64xf32, #tpu.memory_space<vmem>> -> memref<1x256x64xf32, #tpu.memory_space<vmem>>
      %dma_start3A_278 = tpu.memref_squeeze %dma_start3A_277 : memref<1x256x64xf32, #tpu.memory_space<vmem>> -> memref<256x64xf32, #tpu.memory_space<vmem>>
      tpu.enqueue_dma source(%dma_start3A_278 : memref<256x64xf32, #tpu.memory_space<vmem>>) target(%dma_start3A_274 : memref<256x64xf32, #tpu.memory_space<hbm>>) target_semaphore(%arg12 : memref<!tpu.dma_semaphore, #tpu.memory_space<semaphore_mem>>)
      %dma_wait3A_279 = arith.constant 0 : i32
      %dma_wait3A_280 = arith.constant 1 : i32
      %dma_wait3A_281 = arith.constant 0 : i32
      %dma_wait3A_282 = arith.constant 0 : i32
      %dma_wait3A_283 = tpu.memref_slice %arg9[%dma_wait3A_280, %dma_wait3A_281, %dma_wait3A_282] : memref<2x256x64xf32, #tpu.memory_space<vmem>> -> memref<1x256x64xf32, #tpu.memory_space<vmem>>
      %dma_wait3A_284 = tpu.memref_squeeze %dma_wait3A_283 : memref<1x256x64xf32, #tpu.memory_space<vmem>> -> memref<256x64xf32, #tpu.memory_space<vmem>>
      %dma_wait3A_285 = arith.constant 0 : i32
      %dma_wait3A_286 = tpu.memref_slice %arg7[%dma_wait3A_279, %dma_wait3A_285] : memref<50x128xi32, #tpu.memory_space<vmem>> -> memref<1x128xi32, #tpu.memory_space<vmem>>
      %dma_wait3A_287 = tpu.memref_squeeze %dma_wait3A_286 : memref<1x128xi32, #tpu.memory_space<vmem>> -> memref<128xi32, #tpu.memory_space<vmem>>
      %dma_wait3A_288 = arith.constant 0 : i32
      %dma_wait3A_289 = arith.constant 0 : i32
      %dma_wait3A_290 = tpu.memref_slice %arg2[%dma_wait3A_288, %dma_wait3A_289] : memref<1000000x64xf32, #tpu.memory_space<hbm>> -> memref<1000000x64xf32, #tpu.memory_space<hbm>>
      tpu.wait_indirect_dma semaphore(%arg11 : memref<!tpu.dma_semaphore, #tpu.memory_space<semaphore_mem>>) src(%dma_wait3A_290 : memref<1000000x64xf32, #tpu.memory_space<hbm>>) dst(%dma_wait3A_284 : memref<256x64xf32, #tpu.memory_space<vmem>>)
      %dma_wait3A_291 = arith.constant 0 : i32
      %dma_wait3A_292 = arith.constant 1 : i32
      %dma_wait3A_293 = arith.constant 0 : i32
      %dma_wait3A_294 = arith.constant 0 : i32
      %dma_wait3A_295 = tpu.memref_slice %arg10[%dma_wait3A_292, %dma_wait3A_293, %dma_wait3A_294] : memref<2x256x64xf32, #tpu.memory_space<vmem>> -> memref<1x256x64xf32, #tpu.memory_space<vmem>>
      %dma_wait3A_296 = tpu.memref_squeeze %dma_wait3A_295 : memref<1x256x64xf32, #tpu.memory_space<vmem>> -> memref<256x64xf32, #tpu.memory_space<vmem>>
      %dma_wait3A_297 = arith.constant 0 : i32
      %dma_wait3A_298 = tpu.memref_slice %arg8[%dma_wait3A_291, %dma_wait3A_297] : memref<50x128xi32, #tpu.memory_space<vmem>> -> memref<1x128xi32, #tpu.memory_space<vmem>>
      %dma_wait3A_299 = tpu.memref_squeeze %dma_wait3A_298 : memref<1x128xi32, #tpu.memory_space<vmem>> -> memref<128xi32, #tpu.memory_space<vmem>>
      %dma_wait3A_300 = arith.constant 0 : i32
      %dma_wait3A_301 = arith.constant 0 : i32
      %dma_wait3A_302 = tpu.memref_slice %arg3[%dma_wait3A_300, %dma_wait3A_301] : memref<12800x64xf32, #tpu.memory_space<hbm>> -> memref<12800x64xf32, #tpu.memory_space<hbm>>
      tpu.wait_indirect_dma semaphore(%arg11 : memref<!tpu.dma_semaphore, #tpu.memory_space<semaphore_mem>>) src(%dma_wait3A_302 : memref<12800x64xf32, #tpu.memory_space<hbm>>) dst(%dma_wait3A_296 : memref<256x64xf32, #tpu.memory_space<vmem>>)
      %dma_wait3A_303 = arith.constant 0 : i32
      %dma_wait3A_304 = arith.constant 0 : i32
      %dma_wait3A_305 = arith.constant 0 : i32
      %dma_wait3A_306 = tpu.memref_slice %arg9[%dma_wait3A_303, %dma_wait3A_304, %dma_wait3A_305] : memref<2x256x64xf32, #tpu.memory_space<vmem>> -> memref<1x256x64xf32, #tpu.memory_space<vmem>>
      %dma_wait3A_307 = tpu.memref_squeeze %dma_wait3A_306 : memref<1x256x64xf32, #tpu.memory_space<vmem>> -> memref<256x64xf32, #tpu.memory_space<vmem>>
      %dma_wait3A_308 = arith.constant 0 : i32
      %dma_wait3A_309 = tpu.memref_slice %arg6[%mul3A_2, %dma_wait3A_308] : memref<204800x128xf32, #tpu.memory_space<hbm>> -> memref<256x64xf32, #tpu.memory_space<hbm>>
      %dma_wait3A_310 = arith.constant 0 : i32
      %dma_wait3A_311 = tpu.memref_slice %arg6[%mul3A_2, %dma_wait3A_310] : memref<204800x128xf32, #tpu.memory_space<hbm>> -> memref<256x64xf32, #tpu.memory_space<hbm>>
      %dma_wait3A_312 = arith.constant 0 : i32
      %dma_wait3A_313 = arith.constant 0 : i32
      %dma_wait3A_314 = tpu.memref_slice %arg9[%dma_wait3A_303, %dma_wait3A_312, %dma_wait3A_313] : memref<2x256x64xf32, #tpu.memory_space<vmem>> -> memref<1x256x64xf32, #tpu.memory_space<vmem>>
      %dma_wait3A_315 = tpu.memref_squeeze %dma_wait3A_314 : memref<1x256x64xf32, #tpu.memory_space<vmem>> -> memref<256x64xf32, #tpu.memory_space<vmem>>
      tpu.wait_dma2 semaphore(%arg12 : memref<!tpu.dma_semaphore, #tpu.memory_space<semaphore_mem>>) src(%dma_wait3A_315 : memref<256x64xf32, #tpu.memory_space<vmem>>) dst(%dma_wait3A_311 : memref<256x64xf32, #tpu.memory_space<hbm>>)
      %dma_wait3A_316 = arith.constant 0 : i32
      %dma_wait3A_317 = arith.constant 0 : i32
      %dma_wait3A_318 = arith.constant 0 : i32
      %dma_wait3A_319 = tpu.memref_slice %arg10[%dma_wait3A_316, %dma_wait3A_317, %dma_wait3A_318] : memref<2x256x64xf32, #tpu.memory_space<vmem>> -> memref<1x256x64xf32, #tpu.memory_space<vmem>>
      %dma_wait3A_320 = tpu.memref_squeeze %dma_wait3A_319 : memref<1x256x64xf32, #tpu.memory_space<vmem>> -> memref<256x64xf32, #tpu.memory_space<vmem>>
      %dma_wait3A_321 = arith.constant 64 : i32
      %dma_wait3A_322 = tpu.memref_slice %arg6[%mul3A_2, %dma_wait3A_321] : memref<204800x128xf32, #tpu.memory_space<hbm>> -> memref<256x64xf32, #tpu.memory_space<hbm>>
      %dma_wait3A_323 = arith.constant 64 : i32
      %dma_wait3A_324 = tpu.memref_slice %arg6[%mul3A_2, %dma_wait3A_323] : memref<204800x128xf32, #tpu.memory_space<hbm>> -> memref<256x64xf32, #tpu.memory_space<hbm>>
      %dma_wait3A_325 = arith.constant 0 : i32
      %dma_wait3A_326 = arith.constant 0 : i32
      %dma_wait3A_327 = tpu.memref_slice %arg10[%dma_wait3A_316, %dma_wait3A_325, %dma_wait3A_326] : memref<2x256x64xf32, #tpu.memory_space<vmem>> -> memref<1x256x64xf32, #tpu.memory_space<vmem>>
      %dma_wait3A_328 = tpu.memref_squeeze %dma_wait3A_327 : memref<1x256x64xf32, #tpu.memory_space<vmem>> -> memref<256x64xf32, #tpu.memory_space<vmem>>
      tpu.wait_dma2 semaphore(%arg12 : memref<!tpu.dma_semaphore, #tpu.memory_space<semaphore_mem>>) src(%dma_wait3A_328 : memref<256x64xf32, #tpu.memory_space<vmem>>) dst(%dma_wait3A_324 : memref<256x64xf32, #tpu.memory_space<hbm>>)
      %add3A_329 = arith.constant 2 : i32
      %add3A_330 = arith.addi %mul3A_148, %add3A_329 : i32
      %mul3A_331 = arith.constant 2 : i32
      %mul3A_332 = arith.muli %add3A_330, %mul3A_331 : i32
      %add3A_333 = arith.constant 0 : i32
      %add3A_334 = arith.addi %mul3A_332, %add3A_333 : i32
      %dma_start3A_335 = arith.constant 0 : i32
      %dma_start3A_336 = arith.constant 0 : i32
      %dma_start3A_337 = arith.constant 0 : i32
      %dma_start3A_338 = tpu.memref_slice %arg9[%dma_start3A_335, %dma_start3A_336, %dma_start3A_337] : memref<2x256x64xf32, #tpu.memory_space<vmem>> -> memref<1x256x64xf32, #tpu.memory_space<vmem>>
      %dma_start3A_339 = tpu.memref_squeeze %dma_start3A_338 : memref<1x256x64xf32, #tpu.memory_space<vmem>> -> memref<256x64xf32, #tpu.memory_space<vmem>>
      %dma_start3A_340 = arith.constant 0 : i32
      %dma_start3A_341 = arith.constant 0 : i32
      %dma_start3A_342 = tpu.memref_slice %dma_start3A_339[%dma_start3A_340, %dma_start3A_341] : memref<256x64xf32, #tpu.memory_space<vmem>> -> memref<128x64xf32, #tpu.memory_space<vmem>>
      %dma_start3A_343 = arith.constant 0 : i32
      %dma_start3A_344 = tpu.memref_slice %arg7[%add3A_334, %dma_start3A_343] : memref<50x128xi32, #tpu.memory_space<vmem>> -> memref<1x128xi32, #tpu.memory_space<vmem>>
      %dma_start3A_345 = tpu.memref_squeeze %dma_start3A_344 : memref<1x128xi32, #tpu.memory_space<vmem>> -> memref<128xi32, #tpu.memory_space<vmem>>
      %dma_start3A_346 = arith.constant 0 : i32
      %dma_start3A_347 = arith.constant 0 : i32
      %dma_start3A_348 = tpu.memref_slice %arg2[%dma_start3A_346, %dma_start3A_347] : memref<1000000x64xf32, #tpu.memory_space<hbm>> -> memref<1000000x64xf32, #tpu.memory_space<hbm>>
      tpu.enqueue_indirect_dma source(%dma_start3A_348 : memref<1000000x64xf32, #tpu.memory_space<hbm>>) target(%dma_start3A_342 : memref<128x64xf32, #tpu.memory_space<vmem>>) offsets(%dma_start3A_345 : memref<128xi32, #tpu.memory_space<vmem>>) semaphore(%arg11 : memref<!tpu.dma_semaphore, #tpu.memory_space<semaphore_mem>>)
      %mul3A_349 = arith.constant 2 : i32
      %mul3A_350 = arith.muli %add3A_330, %mul3A_349 : i32
      %add3A_351 = arith.constant 0 : i32
      %add3A_352 = arith.addi %mul3A_350, %add3A_351 : i32
      %dma_start3A_353 = arith.constant 0 : i32
      %dma_start3A_354 = arith.constant 0 : i32
      %dma_start3A_355 = arith.constant 0 : i32
      %dma_start3A_356 = tpu.memref_slice %arg10[%dma_start3A_353, %dma_start3A_354, %dma_start3A_355] : memref<2x256x64xf32, #tpu.memory_space<vmem>> -> memref<1x256x64xf32, #tpu.memory_space<vmem>>
      %dma_start3A_357 = tpu.memref_squeeze %dma_start3A_356 : memref<1x256x64xf32, #tpu.memory_space<vmem>> -> memref<256x64xf32, #tpu.memory_space<vmem>>
      %dma_start3A_358 = arith.constant 0 : i32
      %dma_start3A_359 = arith.constant 0 : i32
      %dma_start3A_360 = tpu.memref_slice %dma_start3A_357[%dma_start3A_358, %dma_start3A_359] : memref<256x64xf32, #tpu.memory_space<vmem>> -> memref<128x64xf32, #tpu.memory_space<vmem>>
      %dma_start3A_361 = arith.constant 0 : i32
      %dma_start3A_362 = tpu.memref_slice %arg8[%add3A_352, %dma_start3A_361] : memref<50x128xi32, #tpu.memory_space<vmem>> -> memref<1x128xi32, #tpu.memory_space<vmem>>
      %dma_start3A_363 = tpu.memref_squeeze %dma_start3A_362 : memref<1x128xi32, #tpu.memory_space<vmem>> -> memref<128xi32, #tpu.memory_space<vmem>>
      %dma_start3A_364 = arith.constant 0 : i32
      %dma_start3A_365 = arith.constant 0 : i32
      %dma_start3A_366 = tpu.memref_slice %arg3[%dma_start3A_364, %dma_start3A_365] : memref<12800x64xf32, #tpu.memory_space<hbm>> -> memref<12800x64xf32, #tpu.memory_space<hbm>>
      tpu.enqueue_indirect_dma source(%dma_start3A_366 : memref<12800x64xf32, #tpu.memory_space<hbm>>) target(%dma_start3A_360 : memref<128x64xf32, #tpu.memory_space<vmem>>) offsets(%dma_start3A_363 : memref<128xi32, #tpu.memory_space<vmem>>) semaphore(%arg11 : memref<!tpu.dma_semaphore, #tpu.memory_space<semaphore_mem>>)
      %mul3A_367 = arith.constant 2 : i32
      %mul3A_368 = arith.muli %add3A_330, %mul3A_367 : i32
      %add3A_369 = arith.constant 1 : i32
      %add3A_370 = arith.addi %mul3A_368, %add3A_369 : i32
      %dma_start3A_371 = arith.constant 0 : i32
      %dma_start3A_372 = arith.constant 0 : i32
      %dma_start3A_373 = arith.constant 0 : i32
      %dma_start3A_374 = tpu.memref_slice %arg9[%dma_start3A_371, %dma_start3A_372, %dma_start3A_373] : memref<2x256x64xf32, #tpu.memory_space<vmem>> -> memref<1x256x64xf32, #tpu.memory_space<vmem>>
      %dma_start3A_375 = tpu.memref_squeeze %dma_start3A_374 : memref<1x256x64xf32, #tpu.memory_space<vmem>> -> memref<256x64xf32, #tpu.memory_space<vmem>>
      %dma_start3A_376 = arith.constant 128 : i32
      %dma_start3A_377 = arith.constant 0 : i32
      %dma_start3A_378 = tpu.memref_slice %dma_start3A_375[%dma_start3A_376, %dma_start3A_377] : memref<256x64xf32, #tpu.memory_space<vmem>> -> memref<128x64xf32, #tpu.memory_space<vmem>>
      %dma_start3A_379 = arith.constant 0 : i32
      %dma_start3A_380 = tpu.memref_slice %arg7[%add3A_370, %dma_start3A_379] : memref<50x128xi32, #tpu.memory_space<vmem>> -> memref<1x128xi32, #tpu.memory_space<vmem>>
      %dma_start3A_381 = tpu.memref_squeeze %dma_start3A_380 : memref<1x128xi32, #tpu.memory_space<vmem>> -> memref<128xi32, #tpu.memory_space<vmem>>
      %dma_start3A_382 = arith.constant 0 : i32
      %dma_start3A_383 = arith.constant 0 : i32
      %dma_start3A_384 = tpu.memref_slice %arg2[%dma_start3A_382, %dma_start3A_383] : memref<1000000x64xf32, #tpu.memory_space<hbm>> -> memref<1000000x64xf32, #tpu.memory_space<hbm>>
      tpu.enqueue_indirect_dma source(%dma_start3A_384 : memref<1000000x64xf32, #tpu.memory_space<hbm>>) target(%dma_start3A_378 : memref<128x64xf32, #tpu.memory_space<vmem>>) offsets(%dma_start3A_381 : memref<128xi32, #tpu.memory_space<vmem>>) semaphore(%arg11 : memref<!tpu.dma_semaphore, #tpu.memory_space<semaphore_mem>>)
      %mul3A_385 = arith.constant 2 : i32
      %mul3A_386 = arith.muli %add3A_330, %mul3A_385 : i32
      %add3A_387 = arith.constant 1 : i32
      %add3A_388 = arith.addi %mul3A_386, %add3A_387 : i32
      %dma_start3A_389 = arith.constant 0 : i32
      %dma_start3A_390 = arith.constant 0 : i32
      %dma_start3A_391 = arith.constant 0 : i32
      %dma_start3A_392 = tpu.memref_slice %arg10[%dma_start3A_389, %dma_start3A_390, %dma_start3A_391] : memref<2x256x64xf32, #tpu.memory_space<vmem>> -> memref<1x256x64xf32, #tpu.memory_space<vmem>>
      %dma_start3A_393 = tpu.memref_squeeze %dma_start3A_392 : memref<1x256x64xf32, #tpu.memory_space<vmem>> -> memref<256x64xf32, #tpu.memory_space<vmem>>
      %dma_start3A_394 = arith.constant 128 : i32
      %dma_start3A_395 = arith.constant 0 : i32
      %dma_start3A_396 = tpu.memref_slice %dma_start3A_393[%dma_start3A_394, %dma_start3A_395] : memref<256x64xf32, #tpu.memory_space<vmem>> -> memref<128x64xf32, #tpu.memory_space<vmem>>
      %dma_start3A_397 = arith.constant 0 : i32
      %dma_start3A_398 = tpu.memref_slice %arg8[%add3A_388, %dma_start3A_397] : memref<50x128xi32, #tpu.memory_space<vmem>> -> memref<1x128xi32, #tpu.memory_space<vmem>>
      %dma_start3A_399 = tpu.memref_squeeze %dma_start3A_398 : memref<1x128xi32, #tpu.memory_space<vmem>> -> memref<128xi32, #tpu.memory_space<vmem>>
      %dma_start3A_400 = arith.constant 0 : i32
      %dma_start3A_401 = arith.constant 0 : i32
      %dma_start3A_402 = tpu.memref_slice %arg3[%dma_start3A_400, %dma_start3A_401] : memref<12800x64xf32, #tpu.memory_space<hbm>> -> memref<12800x64xf32, #tpu.memory_space<hbm>>
      tpu.enqueue_indirect_dma source(%dma_start3A_402 : memref<12800x64xf32, #tpu.memory_space<hbm>>) target(%dma_start3A_396 : memref<128x64xf32, #tpu.memory_space<vmem>>) offsets(%dma_start3A_399 : memref<128xi32, #tpu.memory_space<vmem>>) semaphore(%arg11 : memref<!tpu.dma_semaphore, #tpu.memory_space<semaphore_mem>>)
      %add3A_403 = arith.constant 1 : i32
      %add3A_404 = arith.addi %mul3A_148, %add3A_403 : i32
      %mul3A_405 = arith.constant 256 : i32
      %mul3A_406 = arith.muli %add3A_404, %mul3A_405 : i32
      %add3A_407 = arith.addi %mul3A_2, %mul3A_406 : i32
      %dma_start3A_408 = arith.constant 1 : i32
      %dma_start3A_409 = arith.constant 0 : i32
      %dma_start3A_410 = arith.constant 0 : i32
      %dma_start3A_411 = tpu.memref_slice %arg9[%dma_start3A_408, %dma_start3A_409, %dma_start3A_410] : memref<2x256x64xf32, #tpu.memory_space<vmem>> -> memref<1x256x64xf32, #tpu.memory_space<vmem>>
      %dma_start3A_412 = tpu.memref_squeeze %dma_start3A_411 : memref<1x256x64xf32, #tpu.memory_space<vmem>> -> memref<256x64xf32, #tpu.memory_space<vmem>>
      %dma_start3A_413 = arith.constant 0 : i32
      %dma_start3A_414 = tpu.memref_slice %arg6[%add3A_407, %dma_start3A_413] : memref<204800x128xf32, #tpu.memory_space<hbm>> -> memref<256x64xf32, #tpu.memory_space<hbm>>
      %dma_start3A_415 = arith.constant 0 : i32
      %dma_start3A_416 = tpu.memref_slice %arg6[%add3A_407, %dma_start3A_415] : memref<204800x128xf32, #tpu.memory_space<hbm>> -> memref<256x64xf32, #tpu.memory_space<hbm>>
      %dma_start3A_417 = arith.constant 0 : i32
      %dma_start3A_418 = arith.constant 0 : i32
      %dma_start3A_419 = tpu.memref_slice %arg9[%dma_start3A_408, %dma_start3A_417, %dma_start3A_418] : memref<2x256x64xf32, #tpu.memory_space<vmem>> -> memref<1x256x64xf32, #tpu.memory_space<vmem>>
      %dma_start3A_420 = tpu.memref_squeeze %dma_start3A_419 : memref<1x256x64xf32, #tpu.memory_space<vmem>> -> memref<256x64xf32, #tpu.memory_space<vmem>>
      tpu.enqueue_dma source(%dma_start3A_420 : memref<256x64xf32, #tpu.memory_space<vmem>>) target(%dma_start3A_416 : memref<256x64xf32, #tpu.memory_space<hbm>>) target_semaphore(%arg12 : memref<!tpu.dma_semaphore, #tpu.memory_space<semaphore_mem>>)
      %mul3A_421 = arith.constant 256 : i32
      %mul3A_422 = arith.muli %add3A_404, %mul3A_421 : i32
      %add3A_423 = arith.addi %mul3A_2, %mul3A_422 : i32
      %dma_start3A_424 = arith.constant 1 : i32
      %dma_start3A_425 = arith.constant 0 : i32
      %dma_start3A_426 = arith.constant 0 : i32
      %dma_start3A_427 = tpu.memref_slice %arg10[%dma_start3A_424, %dma_start3A_425, %dma_start3A_426] : memref<2x256x64xf32, #tpu.memory_space<vmem>> -> memref<1x256x64xf32, #tpu.memory_space<vmem>>
      %dma_start3A_428 = tpu.memref_squeeze %dma_start3A_427 : memref<1x256x64xf32, #tpu.memory_space<vmem>> -> memref<256x64xf32, #tpu.memory_space<vmem>>
      %dma_start3A_429 = arith.constant 64 : i32
      %dma_start3A_430 = tpu.memref_slice %arg6[%add3A_423, %dma_start3A_429] : memref<204800x128xf32, #tpu.memory_space<hbm>> -> memref<256x64xf32, #tpu.memory_space<hbm>>
      %dma_start3A_431 = arith.constant 64 : i32
      %dma_start3A_432 = tpu.memref_slice %arg6[%add3A_423, %dma_start3A_431] : memref<204800x128xf32, #tpu.memory_space<hbm>> -> memref<256x64xf32, #tpu.memory_space<hbm>>
      %dma_start3A_433 = arith.constant 0 : i32
      %dma_start3A_434 = arith.constant 0 : i32
      %dma_start3A_435 = tpu.memref_slice %arg10[%dma_start3A_424, %dma_start3A_433, %dma_start3A_434] : memref<2x256x64xf32, #tpu.memory_space<vmem>> -> memref<1x256x64xf32, #tpu.memory_space<vmem>>
      %dma_start3A_436 = tpu.memref_squeeze %dma_start3A_435 : memref<1x256x64xf32, #tpu.memory_space<vmem>> -> memref<256x64xf32, #tpu.memory_space<vmem>>
      tpu.enqueue_dma source(%dma_start3A_436 : memref<256x64xf32, #tpu.memory_space<vmem>>) target(%dma_start3A_432 : memref<256x64xf32, #tpu.memory_space<hbm>>) target_semaphore(%arg12 : memref<!tpu.dma_semaphore, #tpu.memory_space<semaphore_mem>>)
      %dma_wait3A_437 = arith.constant 1 : i32
      %dma_wait3A_438 = arith.constant 0 : i32
      %dma_wait3A_439 = arith.constant 0 : i32
      %dma_wait3A_440 = tpu.memref_slice %arg9[%dma_wait3A_437, %dma_wait3A_438, %dma_wait3A_439] : memref<2x256x64xf32, #tpu.memory_space<vmem>> -> memref<1x256x64xf32, #tpu.memory_space<vmem>>
      %dma_wait3A_441 = tpu.memref_squeeze %dma_wait3A_440 : memref<1x256x64xf32, #tpu.memory_space<vmem>> -> memref<256x64xf32, #tpu.memory_space<vmem>>
      %dma_wait3A_442 = arith.constant 0 : i32
      %dma_wait3A_443 = tpu.memref_slice %arg6[%mul3A_2, %dma_wait3A_442] : memref<204800x128xf32, #tpu.memory_space<hbm>> -> memref<256x64xf32, #tpu.memory_space<hbm>>
      %dma_wait3A_444 = arith.constant 0 : i32
      %dma_wait3A_445 = tpu.memref_slice %arg6[%mul3A_2, %dma_wait3A_444] : memref<204800x128xf32, #tpu.memory_space<hbm>> -> memref<256x64xf32, #tpu.memory_space<hbm>>
      %dma_wait3A_446 = arith.constant 0 : i32
      %dma_wait3A_447 = arith.constant 0 : i32
      %dma_wait3A_448 = tpu.memref_slice %arg9[%dma_wait3A_437, %dma_wait3A_446, %dma_wait3A_447] : memref<2x256x64xf32, #tpu.memory_space<vmem>> -> memref<1x256x64xf32, #tpu.memory_space<vmem>>
      %dma_wait3A_449 = tpu.memref_squeeze %dma_wait3A_448 : memref<1x256x64xf32, #tpu.memory_space<vmem>> -> memref<256x64xf32, #tpu.memory_space<vmem>>
      tpu.wait_dma2 semaphore(%arg12 : memref<!tpu.dma_semaphore, #tpu.memory_space<semaphore_mem>>) src(%dma_wait3A_449 : memref<256x64xf32, #tpu.memory_space<vmem>>) dst(%dma_wait3A_445 : memref<256x64xf32, #tpu.memory_space<hbm>>)
      %dma_wait3A_450 = arith.constant 1 : i32
      %dma_wait3A_451 = arith.constant 0 : i32
      %dma_wait3A_452 = arith.constant 0 : i32
      %dma_wait3A_453 = tpu.memref_slice %arg10[%dma_wait3A_450, %dma_wait3A_451, %dma_wait3A_452] : memref<2x256x64xf32, #tpu.memory_space<vmem>> -> memref<1x256x64xf32, #tpu.memory_space<vmem>>
      %dma_wait3A_454 = tpu.memref_squeeze %dma_wait3A_453 : memref<1x256x64xf32, #tpu.memory_space<vmem>> -> memref<256x64xf32, #tpu.memory_space<vmem>>
      %dma_wait3A_455 = arith.constant 64 : i32
      %dma_wait3A_456 = tpu.memref_slice %arg6[%mul3A_2, %dma_wait3A_455] : memref<204800x128xf32, #tpu.memory_space<hbm>> -> memref<256x64xf32, #tpu.memory_space<hbm>>
      %dma_wait3A_457 = arith.constant 64 : i32
      %dma_wait3A_458 = tpu.memref_slice %arg6[%mul3A_2, %dma_wait3A_457] : memref<204800x128xf32, #tpu.memory_space<hbm>> -> memref<256x64xf32, #tpu.memory_space<hbm>>
      %dma_wait3A_459 = arith.constant 0 : i32
      %dma_wait3A_460 = arith.constant 0 : i32
      %dma_wait3A_461 = tpu.memref_slice %arg10[%dma_wait3A_450, %dma_wait3A_459, %dma_wait3A_460] : memref<2x256x64xf32, #tpu.memory_space<vmem>> -> memref<1x256x64xf32, #tpu.memory_space<vmem>>
      %dma_wait3A_462 = tpu.memref_squeeze %dma_wait3A_461 : memref<1x256x64xf32, #tpu.memory_space<vmem>> -> memref<256x64xf32, #tpu.memory_space<vmem>>
      tpu.wait_dma2 semaphore(%arg12 : memref<!tpu.dma_semaphore, #tpu.memory_space<semaphore_mem>>) src(%dma_wait3A_462 : memref<256x64xf32, #tpu.memory_space<vmem>>) dst(%dma_wait3A_458 : memref<256x64xf32, #tpu.memory_space<hbm>>)
    }
    %scan3A_66 = arith.constant 12 : i32
    %dma_wait3A = arith.constant 0 : i32
    %dma_wait3A_67 = arith.constant 0 : i32
    %dma_wait3A_68 = arith.constant 0 : i32
    %dma_wait3A_69 = arith.constant 0 : i32
    %dma_wait3A_70 = tpu.memref_slice %arg9[%dma_wait3A_67, %dma_wait3A_68, %dma_wait3A_69] : memref<2x256x64xf32, #tpu.memory_space<vmem>> -> memref<1x256x64xf32, #tpu.memory_space<vmem>>
    %dma_wait3A_71 = tpu.memref_squeeze %dma_wait3A_70 : memref<1x256x64xf32, #tpu.memory_space<vmem>> -> memref<256x64xf32, #tpu.memory_space<vmem>>
    %dma_wait3A_72 = arith.constant 0 : i32
    %dma_wait3A_73 = tpu.memref_slice %arg7[%dma_wait3A, %dma_wait3A_72] : memref<50x128xi32, #tpu.memory_space<vmem>> -> memref<1x128xi32, #tpu.memory_space<vmem>>
    %dma_wait3A_74 = tpu.memref_squeeze %dma_wait3A_73 : memref<1x128xi32, #tpu.memory_space<vmem>> -> memref<128xi32, #tpu.memory_space<vmem>>
    %dma_wait3A_75 = arith.constant 0 : i32
    %dma_wait3A_76 = arith.constant 0 : i32
    %dma_wait3A_77 = tpu.memref_slice %arg2[%dma_wait3A_75, %dma_wait3A_76] : memref<1000000x64xf32, #tpu.memory_space<hbm>> -> memref<1000000x64xf32, #tpu.memory_space<hbm>>
    tpu.wait_indirect_dma semaphore(%arg11 : memref<!tpu.dma_semaphore, #tpu.memory_space<semaphore_mem>>) src(%dma_wait3A_77 : memref<1000000x64xf32, #tpu.memory_space<hbm>>) dst(%dma_wait3A_71 : memref<256x64xf32, #tpu.memory_space<vmem>>)
    %dma_wait3A_78 = arith.constant 0 : i32
    %dma_wait3A_79 = arith.constant 0 : i32
    %dma_wait3A_80 = arith.constant 0 : i32
    %dma_wait3A_81 = arith.constant 0 : i32
    %dma_wait3A_82 = tpu.memref_slice %arg10[%dma_wait3A_79, %dma_wait3A_80, %dma_wait3A_81] : memref<2x256x64xf32, #tpu.memory_space<vmem>> -> memref<1x256x64xf32, #tpu.memory_space<vmem>>
    %dma_wait3A_83 = tpu.memref_squeeze %dma_wait3A_82 : memref<1x256x64xf32, #tpu.memory_space<vmem>> -> memref<256x64xf32, #tpu.memory_space<vmem>>
    %dma_wait3A_84 = arith.constant 0 : i32
    %dma_wait3A_85 = tpu.memref_slice %arg8[%dma_wait3A_78, %dma_wait3A_84] : memref<50x128xi32, #tpu.memory_space<vmem>> -> memref<1x128xi32, #tpu.memory_space<vmem>>
    %dma_wait3A_86 = tpu.memref_squeeze %dma_wait3A_85 : memref<1x128xi32, #tpu.memory_space<vmem>> -> memref<128xi32, #tpu.memory_space<vmem>>
    %dma_wait3A_87 = arith.constant 0 : i32
    %dma_wait3A_88 = arith.constant 0 : i32
    %dma_wait3A_89 = tpu.memref_slice %arg3[%dma_wait3A_87, %dma_wait3A_88] : memref<12800x64xf32, #tpu.memory_space<hbm>> -> memref<12800x64xf32, #tpu.memory_space<hbm>>
    tpu.wait_indirect_dma semaphore(%arg11 : memref<!tpu.dma_semaphore, #tpu.memory_space<semaphore_mem>>) src(%dma_wait3A_89 : memref<12800x64xf32, #tpu.memory_space<hbm>>) dst(%dma_wait3A_83 : memref<256x64xf32, #tpu.memory_space<vmem>>)
    %add3A_90 = arith.constant 6144 : i32
    %add3A_91 = arith.addi %mul3A_2, %add3A_90 : i32
    %dma_start3A_92 = arith.constant 0 : i32
    %dma_start3A_93 = arith.constant 0 : i32
    %dma_start3A_94 = arith.constant 0 : i32
    %dma_start3A_95 = tpu.memref_slice %arg9[%dma_start3A_92, %dma_start3A_93, %dma_start3A_94] : memref<2x256x64xf32, #tpu.memory_space<vmem>> -> memref<1x256x64xf32, #tpu.memory_space<vmem>>
    %dma_start3A_96 = tpu.memref_squeeze %dma_start3A_95 : memref<1x256x64xf32, #tpu.memory_space<vmem>> -> memref<256x64xf32, #tpu.memory_space<vmem>>
    %dma_start3A_97 = arith.constant 0 : i32
    %dma_start3A_98 = tpu.memref_slice %arg6[%add3A_91, %dma_start3A_97] : memref<204800x128xf32, #tpu.memory_space<hbm>> -> memref<256x64xf32, #tpu.memory_space<hbm>>
    %dma_start3A_99 = arith.constant 0 : i32
    %dma_start3A_100 = tpu.memref_slice %arg6[%add3A_91, %dma_start3A_99] : memref<204800x128xf32, #tpu.memory_space<hbm>> -> memref<256x64xf32, #tpu.memory_space<hbm>>
    %dma_start3A_101 = arith.constant 0 : i32
    %dma_start3A_102 = arith.constant 0 : i32
    %dma_start3A_103 = tpu.memref_slice %arg9[%dma_start3A_92, %dma_start3A_101, %dma_start3A_102] : memref<2x256x64xf32, #tpu.memory_space<vmem>> -> memref<1x256x64xf32, #tpu.memory_space<vmem>>
    %dma_start3A_104 = tpu.memref_squeeze %dma_start3A_103 : memref<1x256x64xf32, #tpu.memory_space<vmem>> -> memref<256x64xf32, #tpu.memory_space<vmem>>
    tpu.enqueue_dma source(%dma_start3A_104 : memref<256x64xf32, #tpu.memory_space<vmem>>) target(%dma_start3A_100 : memref<256x64xf32, #tpu.memory_space<hbm>>) target_semaphore(%arg12 : memref<!tpu.dma_semaphore, #tpu.memory_space<semaphore_mem>>)
    %add3A_105 = arith.constant 6144 : i32
    %add3A_106 = arith.addi %mul3A_2, %add3A_105 : i32
    %dma_start3A_107 = arith.constant 0 : i32
    %dma_start3A_108 = arith.constant 0 : i32
    %dma_start3A_109 = arith.constant 0 : i32
    %dma_start3A_110 = tpu.memref_slice %arg10[%dma_start3A_107, %dma_start3A_108, %dma_start3A_109] : memref<2x256x64xf32, #tpu.memory_space<vmem>> -> memref<1x256x64xf32, #tpu.memory_space<vmem>>
    %dma_start3A_111 = tpu.memref_squeeze %dma_start3A_110 : memref<1x256x64xf32, #tpu.memory_space<vmem>> -> memref<256x64xf32, #tpu.memory_space<vmem>>
    %dma_start3A_112 = arith.constant 64 : i32
    %dma_start3A_113 = tpu.memref_slice %arg6[%add3A_106, %dma_start3A_112] : memref<204800x128xf32, #tpu.memory_space<hbm>> -> memref<256x64xf32, #tpu.memory_space<hbm>>
    %dma_start3A_114 = arith.constant 64 : i32
    %dma_start3A_115 = tpu.memref_slice %arg6[%add3A_106, %dma_start3A_114] : memref<204800x128xf32, #tpu.memory_space<hbm>> -> memref<256x64xf32, #tpu.memory_space<hbm>>
    %dma_start3A_116 = arith.constant 0 : i32
    %dma_start3A_117 = arith.constant 0 : i32
    %dma_start3A_118 = tpu.memref_slice %arg10[%dma_start3A_107, %dma_start3A_116, %dma_start3A_117] : memref<2x256x64xf32, #tpu.memory_space<vmem>> -> memref<1x256x64xf32, #tpu.memory_space<vmem>>
    %dma_start3A_119 = tpu.memref_squeeze %dma_start3A_118 : memref<1x256x64xf32, #tpu.memory_space<vmem>> -> memref<256x64xf32, #tpu.memory_space<vmem>>
    tpu.enqueue_dma source(%dma_start3A_119 : memref<256x64xf32, #tpu.memory_space<vmem>>) target(%dma_start3A_115 : memref<256x64xf32, #tpu.memory_space<hbm>>) target_semaphore(%arg12 : memref<!tpu.dma_semaphore, #tpu.memory_space<semaphore_mem>>)
    %dma_wait3A_120 = arith.constant 0 : i32
    %dma_wait3A_121 = arith.constant 0 : i32
    %dma_wait3A_122 = arith.constant 0 : i32
    %dma_wait3A_123 = tpu.memref_slice %arg9[%dma_wait3A_120, %dma_wait3A_121, %dma_wait3A_122] : memref<2x256x64xf32, #tpu.memory_space<vmem>> -> memref<1x256x64xf32, #tpu.memory_space<vmem>>
    %dma_wait3A_124 = tpu.memref_squeeze %dma_wait3A_123 : memref<1x256x64xf32, #tpu.memory_space<vmem>> -> memref<256x64xf32, #tpu.memory_space<vmem>>
    %dma_wait3A_125 = arith.constant 0 : i32
    %dma_wait3A_126 = tpu.memref_slice %arg6[%mul3A_2, %dma_wait3A_125] : memref<204800x128xf32, #tpu.memory_space<hbm>> -> memref<256x64xf32, #tpu.memory_space<hbm>>
    %dma_wait3A_127 = arith.constant 0 : i32
    %dma_wait3A_128 = tpu.memref_slice %arg6[%mul3A_2, %dma_wait3A_127] : memref<204800x128xf32, #tpu.memory_space<hbm>> -> memref<256x64xf32, #tpu.memory_space<hbm>>
    %dma_wait3A_129 = arith.constant 0 : i32
    %dma_wait3A_130 = arith.constant 0 : i32
    %dma_wait3A_131 = tpu.memref_slice %arg9[%dma_wait3A_120, %dma_wait3A_129, %dma_wait3A_130] : memref<2x256x64xf32, #tpu.memory_space<vmem>> -> memref<1x256x64xf32, #tpu.memory_space<vmem>>
    %dma_wait3A_132 = tpu.memref_squeeze %dma_wait3A_131 : memref<1x256x64xf32, #tpu.memory_space<vmem>> -> memref<256x64xf32, #tpu.memory_space<vmem>>
    tpu.wait_dma2 semaphore(%arg12 : memref<!tpu.dma_semaphore, #tpu.memory_space<semaphore_mem>>) src(%dma_wait3A_132 : memref<256x64xf32, #tpu.memory_space<vmem>>) dst(%dma_wait3A_128 : memref<256x64xf32, #tpu.memory_space<hbm>>)
    %dma_wait3A_133 = arith.constant 0 : i32
    %dma_wait3A_134 = arith.constant 0 : i32
    %dma_wait3A_135 = arith.constant 0 : i32
    %dma_wait3A_136 = tpu.memref_slice %arg10[%dma_wait3A_133, %dma_wait3A_134, %dma_wait3A_135] : memref<2x256x64xf32, #tpu.memory_space<vmem>> -> memref<1x256x64xf32, #tpu.memory_space<vmem>>
    %dma_wait3A_137 = tpu.memref_squeeze %dma_wait3A_136 : memref<1x256x64xf32, #tpu.memory_space<vmem>> -> memref<256x64xf32, #tpu.memory_space<vmem>>
    %dma_wait3A_138 = arith.constant 64 : i32
    %dma_wait3A_139 = tpu.memref_slice %arg6[%mul3A_2, %dma_wait3A_138] : memref<204800x128xf32, #tpu.memory_space<hbm>> -> memref<256x64xf32, #tpu.memory_space<hbm>>
    %dma_wait3A_140 = arith.constant 64 : i32
    %dma_wait3A_141 = tpu.memref_slice %arg6[%mul3A_2, %dma_wait3A_140] : memref<204800x128xf32, #tpu.memory_space<hbm>> -> memref<256x64xf32, #tpu.memory_space<hbm>>
    %dma_wait3A_142 = arith.constant 0 : i32
    %dma_wait3A_143 = arith.constant 0 : i32
    %dma_wait3A_144 = tpu.memref_slice %arg10[%dma_wait3A_133, %dma_wait3A_142, %dma_wait3A_143] : memref<2x256x64xf32, #tpu.memory_space<vmem>> -> memref<1x256x64xf32, #tpu.memory_space<vmem>>
    %dma_wait3A_145 = tpu.memref_squeeze %dma_wait3A_144 : memref<1x256x64xf32, #tpu.memory_space<vmem>> -> memref<256x64xf32, #tpu.memory_space<vmem>>
    tpu.wait_dma2 semaphore(%arg12 : memref<!tpu.dma_semaphore, #tpu.memory_space<semaphore_mem>>) src(%dma_wait3A_145 : memref<256x64xf32, #tpu.memory_space<vmem>>) dst(%dma_wait3A_141 : memref<256x64xf32, #tpu.memory_space<hbm>>)
    return
  }
}

module attributes {stable_mosaic.version = 14 : i64} {
  func.func @_ln_body(%arg0: i32, %arg1: i32, %arg2: memref<512x8x128xf32, #tpu.memory_space<vmem>>, %arg3: memref<1x64xf32, #tpu.memory_space<vmem>>, %arg4: memref<1x64xf32, #tpu.memory_space<vmem>>, %arg5: memref<8x64x512xf32, #tpu.memory_space<vmem>>) attributes {dimension_semantics = [#tpu.dimension_semantics<arbitrary>, #tpu.dimension_semantics<arbitrary>], iteration_bounds = array<i64: 25, 2>, scalar_prefetch = 0 : i64, scratch_operands = 0 : i64, tpu.core_type = #tpu.core_type<tc>, window_params = [{transform_indices = @transform_0, window_bounds = array<i64: 512, 8, 128>}, {pipeline_mode = #tpu.pipeline_mode<synchronous>, transform_indices = @transform_1, window_bounds = array<i64: 1, 64>}, {pipeline_mode = #tpu.pipeline_mode<synchronous>, transform_indices = @transform_2, window_bounds = array<i64: 1, 64>}, {transform_indices = @transform_3, window_bounds = array<i64: 8, 64, 512>}]} {
    %get3A = arith.constant 0 : index
    %get3A_0 = arith.constant 0 : index
    %get3A_1 = vector.load %arg3[%get3A, %get3A_0] : memref<1x64xf32, #tpu.memory_space<vmem>>, vector<1x64xf32>
    %get3A_2 = arith.constant 0 : index
    %get3A_3 = arith.constant 0 : index
    %get3A_4 = vector.load %arg4[%get3A_2, %get3A_3] : memref<1x64xf32, #tpu.memory_space<vmem>>, vector<1x64xf32>
    %get3A_5 = arith.constant 0 : index
    %get3A_6 = arith.constant 0 : index
    %get3A_7 = arith.constant 0 : index
    %get3A_8 = vector.load %arg2[%get3A_5, %get3A_6, %get3A_7] : memref<512x8x128xf32, #tpu.memory_space<vmem>>, vector<512x8x128xf32>
    %reshape3A = vector.shape_cast %get3A_8 : vector<512x8x128xf32> to vector<4096x128xf32>
    %broadcast_in_dim3A = arith.constant 1.562500e-02 : f32
    %broadcast_in_dim3A_9 = vector.broadcast %broadcast_in_dim3A : f32 to vector<64x64xf32>
    %iota3A = tpu.iota {dimensions = array<i32: 0>} : vector<64x64xi32>
    %iota3A_10 = tpu.iota {dimensions = array<i32: 1>} : vector<64x64xi32>
    %add3A = arith.constant 0 : i32
    %add3A_11 = vector.broadcast %add3A : i32 to vector<64x64xi32>
    %add3A_12 = arith.addi %iota3A, %add3A_11 : vector<64x64xi32>
    %eq3A = arith.cmpi eq, %add3A_12, %iota3A_10 : vector<64x64xi32>
    %convert_element_type3A = arith.extui %eq3A : vector<64x64xi1> to vector<64x64xi32>
    %convert_element_type3A_13 = arith.sitofp %convert_element_type3A : vector<64x64xi32> to vector<64x64xf32>
    %sub3A = arith.subf %convert_element_type3A_13, %broadcast_in_dim3A_9 : vector<64x64xf32>
    %concatenate3A = tpu.concatenate %sub3A, %sub3A in 0 : vector<64x64xf32>, vector<64x64xf32> -> vector<128x64xf32>
    %dot_general3A = arith.constant dense<0.000000e+00> : vector<4096x64xf32>
    %dot_general3A_14 = tpu.matmul %reshape3A, %concatenate3A, %dot_general3A {dimension_numbers = #tpu.dot_dimension_numbers<[1], [0], [0], [1], [0, 0, 1, 1], [], []>, transpose_lhs_hint = false} : vector<4096x128xf32>, vector<128x64xf32>, vector<4096x64xf32> -> vector<4096x64xf32>
    %mul3A = arith.mulf %dot_general3A_14, %dot_general3A_14 : vector<4096x64xf32>
    %dot_general3A_15 = arith.constant dense<0.000000e+00> : vector<4096x64xf32>
    %dot_general3A_16 = tpu.matmul %mul3A, %broadcast_in_dim3A_9, %dot_general3A_15 {dimension_numbers = #tpu.dot_dimension_numbers<[1], [0], [0], [1], [0, 0, 1, 1], [], []>, transpose_lhs_hint = false} : vector<4096x64xf32>, vector<64x64xf32>, vector<4096x64xf32> -> vector<4096x64xf32>
    %add3A_17 = arith.constant 9.99999974E-6 : f32
    %add3A_18 = vector.broadcast %add3A_17 : f32 to vector<4096x64xf32>
    %add3A_19 = arith.addf %dot_general3A_16, %add3A_18 : vector<4096x64xf32>
    %rsqrt3A = math.rsqrt %add3A_19 : vector<4096x64xf32>
    %mul3A_20 = arith.mulf %dot_general3A_14, %rsqrt3A : vector<4096x64xf32>
    %mul3A_21 = vector.broadcast %get3A_1 : vector<1x64xf32> to vector<4096x64xf32>
    %mul3A_22 = arith.mulf %mul3A_20, %mul3A_21 : vector<4096x64xf32>
    %add3A_23 = vector.broadcast %get3A_4 : vector<1x64xf32> to vector<4096x64xf32>
    %add3A_24 = arith.addf %mul3A_22, %add3A_23 : vector<4096x64xf32>
    %reshape3A_25 = vector.shape_cast %add3A_24 : vector<4096x64xf32> to vector<512x8x64xf32>
    %slice3A = vector.extract_strided_slice %reshape3A_25 {offsets = [0, 0, 0], sizes = [512, 1, 64], strides = [1, 1, 1]} : vector<512x8x64xf32> to vector<512x1x64xf32>
    %squeeze3A = vector.shape_cast %slice3A : vector<512x1x64xf32> to vector<512x64xf32>
    %transpose3A = tpu.transpose %squeeze3A, [1, 0] : vector<512x64xf32> -> vector<64x512xf32>
    %swap3A = arith.constant 0 : index
    %swap3A_26 = arith.constant 0 : index
    %swap3A_27 = arith.constant 0 : index
    %swap3A_28 = vector.load %arg5[%swap3A, %swap3A_26, %swap3A_27] : memref<8x64x512xf32, #tpu.memory_space<vmem>>, vector<1x64x512xf32>
    %swap3A_29 = vector.shape_cast %swap3A_28 : vector<1x64x512xf32> to vector<64x512xf32>
    %swap3A_30 = vector.shape_cast %transpose3A : vector<64x512xf32> to vector<1x64x512xf32>
    tpu.vector_store %arg5[%swap3A, %swap3A_26, %swap3A_27], %swap3A_30 {strides = array<i32>} : memref<8x64x512xf32, #tpu.memory_space<vmem>>, vector<1x64x512xf32>,
    %slice3A_31 = vector.extract_strided_slice %reshape3A_25 {offsets = [0, 1, 0], sizes = [512, 1, 64], strides = [1, 1, 1]} : vector<512x8x64xf32> to vector<512x1x64xf32>
    %squeeze3A_32 = vector.shape_cast %slice3A_31 : vector<512x1x64xf32> to vector<512x64xf32>
    %transpose3A_33 = tpu.transpose %squeeze3A_32, [1, 0] : vector<512x64xf32> -> vector<64x512xf32>
    %swap3A_34 = arith.constant 1 : index
    %swap3A_35 = arith.constant 0 : index
    %swap3A_36 = arith.constant 0 : index
    %swap3A_37 = vector.load %arg5[%swap3A_34, %swap3A_35, %swap3A_36] : memref<8x64x512xf32, #tpu.memory_space<vmem>>, vector<1x64x512xf32>
    %swap3A_38 = vector.shape_cast %swap3A_37 : vector<1x64x512xf32> to vector<64x512xf32>
    %swap3A_39 = vector.shape_cast %transpose3A_33 : vector<64x512xf32> to vector<1x64x512xf32>
    tpu.vector_store %arg5[%swap3A_34, %swap3A_35, %swap3A_36], %swap3A_39 {strides = array<i32>} : memref<8x64x512xf32, #tpu.memory_space<vmem>>, vector<1x64x512xf32>,
    %slice3A_40 = vector.extract_strided_slice %reshape3A_25 {offsets = [0, 2, 0], sizes = [512, 1, 64], strides = [1, 1, 1]} : vector<512x8x64xf32> to vector<512x1x64xf32>
    %squeeze3A_41 = vector.shape_cast %slice3A_40 : vector<512x1x64xf32> to vector<512x64xf32>
    %transpose3A_42 = tpu.transpose %squeeze3A_41, [1, 0] : vector<512x64xf32> -> vector<64x512xf32>
    %swap3A_43 = arith.constant 2 : index
    %swap3A_44 = arith.constant 0 : index
    %swap3A_45 = arith.constant 0 : index
    %swap3A_46 = vector.load %arg5[%swap3A_43, %swap3A_44, %swap3A_45] : memref<8x64x512xf32, #tpu.memory_space<vmem>>, vector<1x64x512xf32>
    %swap3A_47 = vector.shape_cast %swap3A_46 : vector<1x64x512xf32> to vector<64x512xf32>
    %swap3A_48 = vector.shape_cast %transpose3A_42 : vector<64x512xf32> to vector<1x64x512xf32>
    tpu.vector_store %arg5[%swap3A_43, %swap3A_44, %swap3A_45], %swap3A_48 {strides = array<i32>} : memref<8x64x512xf32, #tpu.memory_space<vmem>>, vector<1x64x512xf32>,
    %slice3A_49 = vector.extract_strided_slice %reshape3A_25 {offsets = [0, 3, 0], sizes = [512, 1, 64], strides = [1, 1, 1]} : vector<512x8x64xf32> to vector<512x1x64xf32>
    %squeeze3A_50 = vector.shape_cast %slice3A_49 : vector<512x1x64xf32> to vector<512x64xf32>
    %transpose3A_51 = tpu.transpose %squeeze3A_50, [1, 0] : vector<512x64xf32> -> vector<64x512xf32>
    %swap3A_52 = arith.constant 3 : index
    %swap3A_53 = arith.constant 0 : index
    %swap3A_54 = arith.constant 0 : index
    %swap3A_55 = vector.load %arg5[%swap3A_52, %swap3A_53, %swap3A_54] : memref<8x64x512xf32, #tpu.memory_space<vmem>>, vector<1x64x512xf32>
    %swap3A_56 = vector.shape_cast %swap3A_55 : vector<1x64x512xf32> to vector<64x512xf32>
    %swap3A_57 = vector.shape_cast %transpose3A_51 : vector<64x512xf32> to vector<1x64x512xf32>
    tpu.vector_store %arg5[%swap3A_52, %swap3A_53, %swap3A_54], %swap3A_57 {strides = array<i32>} : memref<8x64x512xf32, #tpu.memory_space<vmem>>, vector<1x64x512xf32>,
    %slice3A_58 = vector.extract_strided_slice %reshape3A_25 {offsets = [0, 4, 0], sizes = [512, 1, 64], strides = [1, 1, 1]} : vector<512x8x64xf32> to vector<512x1x64xf32>
    %squeeze3A_59 = vector.shape_cast %slice3A_58 : vector<512x1x64xf32> to vector<512x64xf32>
    %transpose3A_60 = tpu.transpose %squeeze3A_59, [1, 0] : vector<512x64xf32> -> vector<64x512xf32>
    %swap3A_61 = arith.constant 4 : index
    %swap3A_62 = arith.constant 0 : index
    %swap3A_63 = arith.constant 0 : index
    %swap3A_64 = vector.load %arg5[%swap3A_61, %swap3A_62, %swap3A_63] : memref<8x64x512xf32, #tpu.memory_space<vmem>>, vector<1x64x512xf32>
    %swap3A_65 = vector.shape_cast %swap3A_64 : vector<1x64x512xf32> to vector<64x512xf32>
    %swap3A_66 = vector.shape_cast %transpose3A_60 : vector<64x512xf32> to vector<1x64x512xf32>
    tpu.vector_store %arg5[%swap3A_61, %swap3A_62, %swap3A_63], %swap3A_66 {strides = array<i32>} : memref<8x64x512xf32, #tpu.memory_space<vmem>>, vector<1x64x512xf32>,
    %slice3A_67 = vector.extract_strided_slice %reshape3A_25 {offsets = [0, 5, 0], sizes = [512, 1, 64], strides = [1, 1, 1]} : vector<512x8x64xf32> to vector<512x1x64xf32>
    %squeeze3A_68 = vector.shape_cast %slice3A_67 : vector<512x1x64xf32> to vector<512x64xf32>
    %transpose3A_69 = tpu.transpose %squeeze3A_68, [1, 0] : vector<512x64xf32> -> vector<64x512xf32>
    %swap3A_70 = arith.constant 5 : index
    %swap3A_71 = arith.constant 0 : index
    %swap3A_72 = arith.constant 0 : index
    %swap3A_73 = vector.load %arg5[%swap3A_70, %swap3A_71, %swap3A_72] : memref<8x64x512xf32, #tpu.memory_space<vmem>>, vector<1x64x512xf32>
    %swap3A_74 = vector.shape_cast %swap3A_73 : vector<1x64x512xf32> to vector<64x512xf32>
    %swap3A_75 = vector.shape_cast %transpose3A_69 : vector<64x512xf32> to vector<1x64x512xf32>
    tpu.vector_store %arg5[%swap3A_70, %swap3A_71, %swap3A_72], %swap3A_75 {strides = array<i32>} : memref<8x64x512xf32, #tpu.memory_space<vmem>>, vector<1x64x512xf32>,
    %slice3A_76 = vector.extract_strided_slice %reshape3A_25 {offsets = [0, 6, 0], sizes = [512, 1, 64], strides = [1, 1, 1]} : vector<512x8x64xf32> to vector<512x1x64xf32>
    %squeeze3A_77 = vector.shape_cast %slice3A_76 : vector<512x1x64xf32> to vector<512x64xf32>
    %transpose3A_78 = tpu.transpose %squeeze3A_77, [1, 0] : vector<512x64xf32> -> vector<64x512xf32>
    %swap3A_79 = arith.constant 6 : index
    %swap3A_80 = arith.constant 0 : index
    %swap3A_81 = arith.constant 0 : index
    %swap3A_82 = vector.load %arg5[%swap3A_79, %swap3A_80, %swap3A_81] : memref<8x64x512xf32, #tpu.memory_space<vmem>>, vector<1x64x512xf32>
    %swap3A_83 = vector.shape_cast %swap3A_82 : vector<1x64x512xf32> to vector<64x512xf32>
    %swap3A_84 = vector.shape_cast %transpose3A_78 : vector<64x512xf32> to vector<1x64x512xf32>
    tpu.vector_store %arg5[%swap3A_79, %swap3A_80, %swap3A_81], %swap3A_84 {strides = array<i32>} : memref<8x64x512xf32, #tpu.memory_space<vmem>>, vector<1x64x512xf32>,
    %slice3A_85 = vector.extract_strided_slice %reshape3A_25 {offsets = [0, 7, 0], sizes = [512, 1, 64], strides = [1, 1, 1]} : vector<512x8x64xf32> to vector<512x1x64xf32>
    %squeeze3A_86 = vector.shape_cast %slice3A_85 : vector<512x1x64xf32> to vector<512x64xf32>
    %transpose3A_87 = tpu.transpose %squeeze3A_86, [1, 0] : vector<512x64xf32> -> vector<64x512xf32>
    %swap3A_88 = arith.constant 7 : index
    %swap3A_89 = arith.constant 0 : index
    %swap3A_90 = arith.constant 0 : index
    %swap3A_91 = vector.load %arg5[%swap3A_88, %swap3A_89, %swap3A_90] : memref<8x64x512xf32, #tpu.memory_space<vmem>>, vector<1x64x512xf32>
    %swap3A_92 = vector.shape_cast %swap3A_91 : vector<1x64x512xf32> to vector<64x512xf32>
    %swap3A_93 = vector.shape_cast %transpose3A_87 : vector<64x512xf32> to vector<1x64x512xf32>
    tpu.vector_store %arg5[%swap3A_88, %swap3A_89, %swap3A_90], %swap3A_93 {strides = array<i32>} : memref<8x64x512xf32, #tpu.memory_space<vmem>>, vector<1x64x512xf32>,
    return
  }
  func.func @transform_0(%arg0: i32, %arg1: i32) -> (i32, i32, i32) {
    %c0_i32 = arith.constant 0 : i32
    %c0_i32_0 = arith.constant 0 : i32
    return %arg1, %arg0, %c0_i32 : i32, i32, i32
  }
  func.func @transform_1(%arg0: i32, %arg1: i32) -> (i32, i32) {
    %c0_i32 = arith.constant 0 : i32
    %c0_i32_0 = arith.constant 0 : i32
    %c0_i32_1 = arith.constant 0 : i32
    return %c0_i32, %c0_i32_0 : i32, i32
  }
  func.func @transform_2(%arg0: i32, %arg1: i32) -> (i32, i32) {
    %c0_i32 = arith.constant 0 : i32
    %c0_i32_0 = arith.constant 0 : i32
    %c0_i32_1 = arith.constant 0 : i32
    return %c0_i32, %c0_i32_0 : i32, i32
  }
  func.func @transform_3(%arg0: i32, %arg1: i32) -> (i32, i32, i32) {
    %c0_i32 = arith.constant 0 : i32
    %c0_i32_0 = arith.constant 0 : i32
    return %arg0, %c0_i32, %arg1 : i32, i32, i32
  }
}

</mosaic_0001>

<sc_bundles>
// kernel: kernel.4.cloned.1.call-start
scs
__scs_entry_jumppad:
0x0: {  	(pc) =	sbr.rel $0x88, $3  }
0x1: {  	(tag) =	ssettag $0x0;
	lr =	simm.s32 $0x1  }
0x2: {  	[smem:$0x3F9A] =	sst lr;
	_ =	strace $0xD0000000  }
0x3: {  	_ = 	snop  }
0x4: {  	_ = 	snop  }
0x5: {  	_ = 	snop  }
0x6: {  	_ = 	snop  }
0x7: {  	_ = 	snop  }
__scs_overlays_trampoline_lowered:
0x8: {  	[smem:$0x3FA9] =	sst s0  }
0x9: {  	[smem:$0x3FAA] =	sst s1  }
0xa: {  	[smem:$0x3FAB] =	sst s2  }
0xb: {  	[smem:$0x3FAC] =	sst s3  }
0xc: {  	[smem:$0x3FAD] =	sst s4  }
0xd: {  	[smem:$0x3FAE] =	sst s5  }
0xe: {  	[smem:$0x3FAF] =	sst s6  }
0xf: {  	[smem:$0x3FB0] =	sst s7  }
0x10: {  	[smem:$0x3FB1] =	sst s8  }
0x11: {  	[smem:$0x3FB2] =	sst s9;
	s0 =	simm.s32 @!p0 $0x0  }
0x12: {  	s1 =	sld [smem:$0x3F98];
	s0 =	simm.s32 @p0 $0x1  }
0x13: {  	[smem:$0x3FB3] =	sst s0;
	s0 =	simm.s32 @!p1 $0x0  }
0x14: {  	s2 =	sld [smem:$0x3F97];
	s0 =	simm.s32 @p1 $0x1  }
0x15: {  	[smem:$0x3FB4] =	sst s0;
	s0 =	simm.s32 @!p2 $0x0  }
0x16: {  	s3 =	sld [smem:$0x3FDB];
	s0 =	simm.s32 @p2 $0x1  }
0x17: {  	s4 =	simm.s32 $0x1BF5;
	[smem:$0x3FB6] =	sst s0  }
0x18: {  	s0 =	sld [smem:$0x3F99];
	_ =	swait.ge [sflag:s4], $0x0  }
0x19: {  	s7 =	sld [smem:$0x3F9A]  }
0x1a: {  	s8 =	sadd.s32 $0xFFFFE003, lr  }
0x1b: {  	s9 =	sadd.s32 $0xFFFFFEF7, lr;
	s5 =	simm.s32 $0xFFFFFFFF;
	p2 =	slt.u32 s8, $0xFFFFF086  }
0x1c: {  	p1 =	slt.u32 s9, $0xF7A;
	s5 =	simm.s32 @!p2 $0x0  }
0x1d: {  	s5 =	simm.s32 @p1 $0x1;
	p0 =	seq.s32 s7, s2  }
0x1e: {  	s7 =	smul.u32 @!p0 $0xF7A, s2;
	p2 =	seq.s32 @!p0 s5, $0x0  }
0x1f: {  	s9 =	smul.u32 $0xF7A, s1;
	s8 =	simm.s32 @!p0 $0x1BF5;
	p2 =	por !p2, p0  }
0x20: {  	[sflag:s8] =	ssyncset.s32 @!p0 $0xFFFFF086;
	s6 =	sadd.s32 @!p0 s3, s7;
	s7 =	simm.s32 @!p0 $0x108  }
0x21: {  	s3 =	sadd.s32 s3, s9;
	s6 =	sadd.s32 @!p0 $0x88, s6;
	s7 =	simm.s32 @p2 $0x1082  }
0x22: {  	[simem:s7], [sflag:s8] =	dma.local @!p0 [hbm:s6], $0xF7A  }
0x23: {  	s9 =	sor.u32 $0xD0000000, s2;
	s6 =	simm.s32 $0x108;
	_ =	swait.ge @!p0 [sflag:s8], $0x0  }
0x24: {  	s3 =	sadd.s32 $0x88, s3;
	s6 =	simm.s32 @!p1 $0x1082;
	[sflag:s4] =	ssyncset.s32 $0xFFFFF086  }
0x25: {  	[simem:s6], [sflag:s4] =	dma.local [hbm:s3], $0xF7A  }
0x26: {  	[smem:$0x3F9A] =	sst s1;
	(tag) =	ssettag s2;
	_ =	strace s9  }
0x27: {  	s1 =	sld [smem:$0x3FAA]  }
0x28: {  	s2 =	sld [smem:$0x3FAB]  }
0x29: {  	s4 =	sld [smem:$0x3FAD]  }
0x2a: {  	p0 =	seq.s32 s5, $0x0;
	s5 =	sld [smem:$0x3FAE]  }
0x2b: {  	s6 =	sld [smem:$0x3FAF]  }
0x2c: {  	s7 =	sld [smem:$0x3FB0]  }
0x2d: {  	s3 =	simm.s32 $0x108;
	s8 =	sld [smem:$0x3FB1]  }
0x2e: {  	s3 =	simm.s32 @!p0 $0x1082;
	s9 =	sld [smem:$0x3FB2]  }
0x2f: {  	lr =	sadd.s32 s0, s3;
	s0 =	sld [smem:$0x3FA9]  }
0x30: {  	s3 =	sld [smem:$0x3FAC]  }
0x31: {  	[smem:$0x3FB5] =	sst s10  }
0x32: {  	s10 =	sld [smem:$0x3FB3];
	_ =	sdelay $0x3  }
0x33: {  	p0 =	seq.s32 s10, $0x1;
	s10 =	sld [smem:$0x3FB5];
	_ =	sdelay $0x3  }
0x34: {  	[smem:$0x3FB5] =	sst s10  }
0x35: {  	s10 =	sld [smem:$0x3FB4];
	_ =	sdelay $0x3  }
0x36: {  	p1 =	seq.s32 s10, $0x1;
	s10 =	sld [smem:$0x3FB5];
	_ =	sdelay $0x3  }
0x37: {  	[smem:$0x3FB5] =	sst s10  }
0x38: {  	s10 =	sld [smem:$0x3FB6]  }
0x39: {  	_ = 	snop;
	(pc) =	sbr.ind lr, $3  }
0x3a: {  	_ = 	snop  }
0x3b: {  	_ = 	snop  }
0x3c: {  	p2 =	seq.s32 s10, $0x1;
	s10 =	sld [smem:$0x3FB5]  }
0x3d: {  	_ =	shalt  }
0x3e: {  	_ =	shalt  }
0x3f: {  	_ =	shalt  }
0x40: {  	_ =	shalt  }
0x41: {  	_ =	shalt  }
0x42: {  	_ =	shalt  }
0x43: {  	_ =	shalt  }
0x44: {  	_ =	shalt  }
0x45: {  	_ =	shalt  }
0x46: {  	_ =	shalt  }
0x47: {  	_ =	shalt  }
0x48: {  	_ =	shalt  }
0x49: {  	_ =	shalt  }
0x4a: {  	_ =	shalt  }
0x4b: {  	_ =	shalt  }
0x4c: {  	_ =	shalt  }
0x4d: {  	_ =	shalt  }
0x4e: {  	_ =	shalt  }
0x4f: {  	_ =	shalt  }
0x50: {  	_ =	shalt  }
0x51: {  	_ =	shalt  }
0x52: {  	_ =	shalt  }
0x53: {  	_ =	shalt  }
0x54: {  	_ =	shalt  }
0x55: {  	_ =	shalt  }
0x56: {  	_ =	shalt  }
0x57: {  	_ =	shalt  }
0x58: {  	_ =	shalt  }
0x59: {  	_ =	shalt  }
0x5a: {  	_ =	shalt  }
0x5b: {  	_ =	shalt  }
0x5c: {  	_ =	shalt  }
0x5d: {  	_ =	shalt  }
0x5e: {  	_ =	shalt  }
0x5f: {  	_ =	shalt  }
0x60: {  	_ =	shalt  }
0x61: {  	_ =	shalt  }
0x62: {  	_ =	shalt  }
0x63: {  	_ =	shalt  }
0x64: {  	_ =	shalt  }
0x65: {  	_ =	shalt  }
0x66: {  	_ =	shalt  }
0x67: {  	_ =	shalt  }
0x68: {  	_ =	shalt  }
0x69: {  	_ =	shalt  }
0x6a: {  	_ =	shalt  }
0x6b: {  	_ =	shalt  }
0x6c: {  	_ =	shalt  }
0x6d: {  	_ =	shalt  }
0x6e: {  	_ =	shalt  }
0x6f: {  	_ =	shalt  }
0x70: {  	_ =	shalt  }
0x71: {  	_ =	shalt  }
0x72: {  	_ =	shalt  }
0x73: {  	_ =	shalt  }
0x74: {  	_ =	shalt  }
0x75: {  	_ =	shalt  }
0x76: {  	_ =	shalt  }
0x77: {  	_ =	shalt  }
0x78: {  	_ =	shalt  }
0x79: {  	_ =	shalt  }
0x7a: {  	_ =	shalt  }
0x7b: {  	_ =	shalt  }
0x7c: {  	_ =	shalt  }
0x7d: {  	_ =	shalt  }
0x7e: {  	_ =	shalt  }
0x7f: {  	_ =	shalt  }
0x80: {  	_ =	shalt  }
0x81: {  	_ =	shalt  }
0x82: {  	_ =	shalt  }
0x83: {  	_ =	shalt  }
0x84: {  	_ =	shalt  }
0x85: {  	_ =	shalt  }
0x86: {  	_ =	shalt  }
0x87: {  	_ =	shalt  }
.Lfunc_end0:
.L_simem_size_0:
called_computation_lowered:
.L_overlay_start_0:
0x88: {  	s2 =	sld [smem:$0x3FD9]  }
0x89: {  	s3 =	sld [smem:$0x3FFE];
	_ =	sdelay $0x1  }
0x8a: {  	s1 =	srdreg.scid  }
0x8b: {  	s0 =	sand.u32 $0x1, s1  }
0x8c: {  	s17 =	sshll.u32 s0, $0xA;
	s2 =	sadd.s32 s3, s2  }
0x8d: {  	s2 =	sadd.s32 s2, s17  }
0x8e: {  	[smem:$0x3FC1] =	sst s2  }
0x8f: {  	_ = 	snop  }
0x90: {  	s2 =	sld [smem:$0x3FD0];
	(tm) =	ssettm $0x1  }
0x91: {  	s18 =	sld [smem:$0x3FFB];
	_ =	sdelay $0x3  }
0x92: {  	_ =	strace s18  }
0x93: {  	s3 =	sld [smem:$0x3FFC];
	_ =	sdelay $0x3  }
0x94: {  	_ =	strace s3  }
0x95: {  	s3 =	sld [smem:$0x3FFD];
	_ =	sdelay $0x3  }
0x96: {  	_ =	strace s3  }
0x97: {  	_ =	strace $0x8FFFFFFF  }
0x98: {  	s19 =	sld [smem:$0x3FDB];
	_ =	sdelay $0x1  }
0x99: {  	s4 =	simm.s32 $_scs_section_size  }
0x9a: {  	s5 =	simm.s32 $_size__tile_overlayer_lowered;
	s6 =	simm.s32 $_tile_overlayer_lowered  }
0x9b: {  	s22 =	simm.s32 $0x1BFF;
	s21 =	sshll.u32 s6, $0x1;
	s3 =	sadd.s32 s4, s19  }
0x9c: {  	s7 =	simm.s32 $0x0;
	s20 =	sshll.u32 s5, $0x1;
	s5 =	sadd.s32 s21, s3  }
0x9d: {  	[timem:s7], [sflag:s22] =	dma.local [hbm:s5], s20  }
0x9e: {  	_ =	swait.ge [sflag:s22], s20  }
0x9f: {  	s4 =	ssub.s32 $0x0, s20;
	[sflag:s22] =	ssyncset.done $0x0  }
0xa0: {  	[sflag:s22] =	ssyncadd.s32 s4;
	_ =	sdelay $0x1  }
0xa1: {  	s23 =	simm.s32 $0x1B8B  }
0xa2: {  	_ =	swait.ge [sflag:s23], $0x1  }
0xa3: {  	[sflag:s23] =	ssyncset.done $0x0  }
0xa4: {  	s25 =	simm.s32 $0x1B8E;
	s24 =	sld [smem:$0x3FFE];
	[sflag:s23] =	ssyncadd.s32 $0xFFFFFFFF  }
0xa5: {  	s26 =	simm.s32 $execute0_lowered;
	[smem:$0x3FD2] =	sst s25  }
0xa6: {  	s5 =	sshll.u32 s26, $0x1;
	_ =	strace $0x80000046;
	[dreg:$0x1] =	wrdreg $0xFFFFFFFF  }
0xa7: {  	s28 =	simm.s32 $_size_execute0_lowered;
	s3 =	sadd.s32 s3, s5;
	[dreg:$0x0] =	wrdreg $0x0  }
0xa8: {  	s5 =	sshll.u32 s28, $0x1;
	[dreg:$0x2] =	wrdreg s3  }
0xa9: {  	[dreg:$0x3] =	wrdreg s5  }
0xaa: {  	[dreg:$0x4] =	wrdreg $0xC0  }
0xab: {  	_ =	task [dreg:s7], $0x5FFFF  }
0xac: {  	[dreg:$0x1] =	wrdreg $0xFFFFFFFF  }
0xad: {  	[dreg:$0x0] =	wrdreg $0x60  }
0xae: {  	[dreg:$0x2] =	wrdreg s24  }
0xaf: {  	[dreg:$0x3] =	wrdreg s2  }
0xb0: {  	[dreg:$0x4] =	wrdreg $0x9  }
0xb1: {  	_ =	task.clear_ibuf [dreg:s7], $0x5FFFF;
	_ =	strace $0x90000046  }
0xb2: {  	s29 =	simm.s32 $0x9;
	_ =	strace $0x80000048  }
0xb3: {  	_ =	swait.ge [sflag:s29], $0x1  }
0xb4: {  	[sflag:s29] =	ssyncadd.s32 $0xFFFFFFFF  }
0xb5: {  	_ =	strace $0x90000048  }
0xb6: {  	_ =	sfence  }
0xb7: {  	s30 =	sld [smem:$0x0];
	_ =	sdelay $0x2  }
0xb8: {  	s31 =	sshll.u32 s1, $0xD;
	s1 =	sshrl.u32 s1, $0x2  }
0xb9: {  	s3 =	sand.u32 $0x4000, s31;
	s1 =	sadd.s32 s1, s30  }
0xba: {  	s0 =	sor.u32 s3, s0;
	s1 =	sshll.u32 s1, $0x11  }
0xbb: {  	s0 =	sor.u32 s1, s0  }
0xbc: {  	s0 =	sadd.s32 $0x8F2B, s0  }
0xbd: {  	[sflag:s0] =	ssyncadd.remote.s32 $0x1  }
0xbe: {  	_ =	sfence.sel $0xFFFF  }
0xbf: {  	[dreg:$0x0] =	wrdreg $0xFFFFFFFF;
	(pc) =	sbr.abs _section_cstart, $3  }
0xc0: {  	[dreg:$0x1] =	wrdreg $0xFFFFFFFF  }
0xc1: {  	_ =	task.clear_ibuf [dreg:s7], $0x2FFFF;
	_ =	strace $0x9FFFFFFF  }
0xc2: {  	(tm) =	ssettm $0x7FFFFFFF  }
0xc3: {  	_ =	shalt  }
tec
execute0_lowered:
.L_overlay_start_1:
0x0: {  	(tag) =	ssettag $0x1  }
0x1: {  	s0 =	rddreg [dreg:$0x0]  }
0x2: {  	s1 =	srdreg.scid;
	s8 =	stileid.u32  }
0x3: {  	s2 =	rddreg [dreg:$0x1];
	s3 =	simm.s32 $0x0;
	s12 =	simm.s32 $0x3  }
0x4: {  	s13 =	simm.s32 $0x1900;
	s14 =	simm.s32 $0x80;
	s15 =	simm.s32 $0x3200  }
0x5: {  	s16 =	simm.s32 $0xB200;
	s17 =	simm.s32 $0x5200;
	s19 =	simm.s32 $0xD200  }
0x6: {  	s20 =	simm.s32 $0x7200;
	s21 =	simm.s32 $0xF200;
	s22 =	simm.s32 $0x9200  }
0x7: {  	s23 =	simm.s32 $0x11200;
	s24 =	simm.s32 $0x1;
	s25 =	simm.s32 $0x40  }
0x8: {  	s1 =	sand.u32 $0x1, s1;
	s4 =	sshll.u32 s8, $0x1;
	s8 =	smul.u32 $0x190000, s8  }
0x9: {  	s4 =	sor.u32 s1, s4;
	s7 =	ssub.s32 $0x2, s1;
	s1 =	smul.u32 $0xC8000, s1  }
0xa: {  	s28 =	simm.s32 $0x0;
	[smem:$0x7FF] =	sst s3;
	s5 =	smul.u32 $0x320, s4  }
0xb: {  	_ =	strace $0x80000047;
	s6 =	smul.u32 $0xC8000, s4;
	s26 =	sshrl.u32 s7, $0x1  }
0xc: {  	s4 =	sadd.s32 $0xF43A00, s0;
	s10 =	ssub.s32 s7, s26;
	s1 =	sadd.s32 s1, s8  }
0xd: {  	s26 =	simm.s32 $0x2;
	s9 =	sadd.s32 s5, s0;
	s0 =	sadd.s32 $0xDC00, s0  }
0xe: {  	s6 =	sshrl.u32 s6, $0x3;
	s30 =	sadd.s32 $0x8000, s1;
	s1 =	sshrl.u32 s1, $0x3  }
0xf: {  	s29 =	sadd.s32 $0x7800, s9;
	s11 =	sadd.s32 s0, s6;
	s6 =	sadd.s32 $0x1400, s9  }
0x10: {  	s31 =	sshrl.u32 s30, $0x3;
	s9 =	smax.u32 s10, $0x1;
	s1 =	sadd.s32 s1, s0  }
0x11: {  	[dreg:$0x3] =	wrdreg s29;
	s7 =	sadd.s32 $0x18000, s11;
	s0 =	sadd.s32 s31, s0  }
0x12: {  	s8 =	sadd.s32 $0x18008, s11;
	s10 =	sadd.s32 $0x8, s1;
	s11 =	sadd.s32 $0x8, s0  }
.LBB2_1:
0x13: {  	s0 =	rddreg [dreg:$0x3]  }
0x14: {  	[tilespmem:s3], [sflag:$0x3] =	stream.linear.gather [hbm4b:s0+s3], $0x1900, $0x38;
	[tilespmem:$0x13200] =	vst v63  }
0x15: {  	_ =	swait.ge [sflag:s12], $0x1900  }
0x16: {  	[sflag:s12] =	ssyncset.done $0x0  }
0x17: {  	[sflag:s12] =	ssyncadd.s32 $0xFFFFE700  }
0x18: {  	[tilespmem:s13], [sflag:$0x3] =	stream.linear.gather [hbm4b:s6+s3], $0x1900, $0x38;
	[tilespmem:$0x13200] =	vst v63  }
0x19: {  	_ =	swait.ge [sflag:s12], $0x1900  }
0x1a: {  	[sflag:s12] =	ssyncset.done $0x0  }
0x1b: {  	[sflag:s12] =	ssyncadd.s32 $0xFFFFE700  }
0x1c: {  	[tilespmem:s15], [sflag:$0x1] =	stream.indirect.gather [hbm4b:s4+s14], $0x40, s3, s14, $0xb8;
	[tilespmem:$0x13200] =	vst v63  }
0x1d: {  	_ = 	snop  }
0x1e: {  	[tilespmem:s16], [sflag:$0x1] =	stream.indirect.gather [hbm4b:s2+s14], $0x40, s13, s14, $0xb8;
	[tilespmem:$0x13200] =	vst v63  }
0x1f: {  	_ = 	snop  }
0x20: {  	[tilespmem:s17], [sflag:$0x1] =	stream.indirect.gather [hbm4b:s4+s14], $0x40, s14, s14, $0xb8;
	[tilespmem:$0x13200] =	vst v63  }
0x21: {  	s5 =	simm.s32 $0x1980  }
0x22: {  	[tilespmem:s19], [sflag:$0x1] =	stream.indirect.gather [hbm4b:s2+s14], $0x40, s5, s14, $0xb8;
	[tilespmem:$0x13200] =	vst v63  }
0x23: {  	s18 =	simm.s32 $0x100  }
0x24: {  	[tilespmem:s20], [sflag:$0x1] =	stream.indirect.gather [hbm4b:s4+s14], $0x40, s18, s14, $0xb8;
	[tilespmem:$0x13200] =	vst v63  }
0x25: {  	s1 =	simm.s32 $0x1A00  }
0x26: {  	[tilespmem:s21], [sflag:$0x1] =	stream.indirect.gather [hbm4b:s2+s14], $0x40, s1, s14, $0xb8;
	[tilespmem:$0x13200] =	vst v63  }
0x27: {  	s5 =	simm.s32 $0x180  }
0x28: {  	[tilespmem:s22], [sflag:$0x1] =	stream.indirect.gather [hbm4b:s4+s14], $0x40, s5, s14, $0xb8;
	[tilespmem:$0x13200] =	vst v63  }
0x29: {  	s18 =	simm.s32 $0x1A80  }
0x2a: {  	[tilespmem:s23], [sflag:$0x1] =	stream.indirect.gather [hbm4b:s2+s14], $0x40, s18, s14, $0xb8;
	[tilespmem:$0x13200] =	vst v63  }
0x2b: {  	_ =	swait.ge [sflag:s24], $0x4000  }
0x2c: {  	[sflag:s24] =	ssyncset.done $0x0  }
0x2d: {  	[sflag:s24] =	ssyncadd.s32 $0xFFFFC000  }
0x2e: {  	_ =	swait.ge [sflag:s24], $0x4000  }
0x2f: {  	[sflag:s24] =	ssyncset.done $0x0  }
0x30: {  	s1 =	sadd.s32 $0xFFFFFFF8, s10;
	[sflag:s24] =	ssyncadd.s32 $0xFFFFC000  }
0x31: {  	[hbm4b:s1+s25] =	stream.strided.scatter [tilespmem:s15], [sflag:$0x2], $0x4000, s14, s25, $0x38;
	[tilespmem:$0x13200] =	vst v63  }
0x32: {  	_ = 	snop  }
0x33: {  	[hbm4b:s10+s25] =	stream.strided.scatter [tilespmem:s16], [sflag:$0x2], $0x4000, s14, s25, $0x38;
	[tilespmem:$0x13200] =	vst v63  }
0x34: {  	_ =	swait.ge [sflag:s24], $0x4000  }
0x35: {  	[sflag:s24] =	ssyncset.done $0x0  }
0x36: {  	[sflag:s24] =	ssyncadd.s32 $0xFFFFC000  }
0x37: {  	_ =	swait.ge [sflag:s24], $0x4000  }
0x38: {  	[sflag:s24] =	ssyncset.done $0x0  }
0x39: {  	[sflag:s24] =	ssyncadd.s32 $0xFFFFC000  }
0x3a: {  	_ =	swait.ge [sflag:s26], $0x4000  }
0x3b: {  	[sflag:s26] =	ssyncset.done $0x0  }
0x3c: {  	[sflag:s26] =	ssyncadd.s32 $0xFFFFC000  }
0x3d: {  	_ =	swait.ge [sflag:s26], $0x4000  }
0x3e: {  	[sflag:s26] =	ssyncset.done $0x0  }
0x3f: {  	s5 =	simm.s32 $0x200;
	[sflag:s26] =	ssyncadd.s32 $0xFFFFC000  }
0x40: {  	[tilespmem:s15], [sflag:$0x1] =	stream.indirect.gather [hbm4b:s4+s14], $0x40, s5, s14, $0xb8;
	[tilespmem:$0x13200] =	vst v63  }
0x41: {  	s18 =	simm.s32 $0x1B00  }
0x42: {  	[tilespmem:s16], [sflag:$0x1] =	stream.indirect.gather [hbm4b:s2+s14], $0x40, s18, s14, $0xb8;
	[tilespmem:$0x13200] =	vst v63  }
0x43: {  	s1 =	simm.s32 $0x280  }
0x44: {  	[tilespmem:s17], [sflag:$0x1] =	stream.indirect.gather [hbm4b:s4+s14], $0x40, s1, s14, $0xb8;
	[tilespmem:$0x13200] =	vst v63  }
0x45: {  	s5 =	simm.s32 $0x1B80  }
0x46: {  	[tilespmem:s19], [sflag:$0x1] =	stream.indirect.gather [hbm4b:s2+s14], $0x40, s5, s14, $0xb8;
	[tilespmem:$0x13200] =	vst v63  }
0x47: {  	s18 =	sadd.s32 $0xFFFFFFF8, s11  }
0x48: {  	[hbm4b:s18+s25] =	stream.strided.scatter [tilespmem:s20], [sflag:$0x2], $0x4000, s14, s25, $0x38;
	[tilespmem:$0x13200] =	vst v63  }
0x49: {  	_ = 	snop  }
0x4a: {  	[hbm4b:s11+s25] =	stream.strided.scatter [tilespmem:s21], [sflag:$0x2], $0x4000, s14, s25, $0x38;
	[tilespmem:$0x13200] =	vst v63  }
0x4b: {  	_ =	swait.ge [sflag:s26], $0x4000  }
0x4c: {  	[sflag:s26] =	ssyncset.done $0x0  }
0x4d: {  	[sflag:s26] =	ssyncadd.s32 $0xFFFFC000  }
0x4e: {  	s29 =	sadd.s32 $0x2000, s11;
	s30 =	simm.s32 $0x200;
	_ =	swait.ge [sflag:s26], $0x4000  }
0x4f: {  	s31 =	sadd.s32 $0x2000, s10;
	s1 =	simm.s32 $0x1000;
	[sflag:s26] =	ssyncset.done $0x0  }
.LBB2_2:
0x50: {  	s5 =	sadd.s32 $0x100, s30  }
0x51: {  	[sflag:s26] =	ssyncadd.s32 $0xFFFFC000;
	s0 =	smov.u32 s1;
	s18 =	sadd.s32 $0x800, s1  }
0x52: {  	[tilespmem:s20], [sflag:$0x1] =	stream.indirect.gather [hbm4b:s4+s14], $0x40, s5, s14, $0xb8;
	[tilespmem:$0x13200] =	vst v63  }
0x53: {  	p0 =	sne.s32 s1, $0x5800;
	s1 =	sadd.s32 $0x1A00, s30  }
0x54: {  	[tilespmem:s21], [sflag:$0x1] =	stream.indirect.gather [hbm4b:s2+s14], $0x40, s1, s14, $0xb8;
	[tilespmem:$0x13200] =	vst v63  }
0x55: {  	s1 =	sadd.s32 $0x180, s30  }
0x56: {  	[tilespmem:s22], [sflag:$0x1] =	stream.indirect.gather [hbm4b:s4+s14], $0x40, s1, s14, $0xb8;
	[tilespmem:$0x13200] =	vst v63  }
0x57: {  	s1 =	sadd.s32 $0x1A80, s30  }
0x58: {  	[tilespmem:s23], [sflag:$0x1] =	stream.indirect.gather [hbm4b:s2+s14], $0x40, s1, s14, $0xb8;
	[tilespmem:$0x13200] =	vst v63  }
0x59: {  	_ =	swait.ge [sflag:s24], $0x4000  }
0x5a: {  	[sflag:s24] =	ssyncset.done $0x0  }
0x5b: {  	[sflag:s24] =	ssyncadd.s32 $0xFFFFC000  }
0x5c: {  	_ =	swait.ge [sflag:s24], $0x4000  }
0x5d: {  	[sflag:s24] =	ssyncset.done $0x0  }
0x5e: {  	s1 =	sadd.s32 $0xFFFFFFF8, s31;
	[sflag:s24] =	ssyncadd.s32 $0xFFFFC000  }
0x5f: {  	[hbm4b:s1+s25] =	stream.strided.scatter [tilespmem:s15], [sflag:$0x2], $0x4000, s14, s25, $0x38;
	[tilespmem:$0x13200] =	vst v63  }
0x60: {  	_ = 	snop  }
0x61: {  	[hbm4b:s31+s25] =	stream.strided.scatter [tilespmem:s16], [sflag:$0x2], $0x4000, s14, s25, $0x38;
	[tilespmem:$0x13200] =	vst v63  }
0x62: {  	_ =	swait.ge [sflag:s24], $0x4000  }
0x63: {  	[sflag:s24] =	ssyncset.done $0x0  }
0x64: {  	[sflag:s24] =	ssyncadd.s32 $0xFFFFC000  }
0x65: {  	_ =	swait.ge [sflag:s24], $0x4000  }
0x66: {  	[sflag:s24] =	ssyncset.done $0x0  }
0x67: {  	[sflag:s24] =	ssyncadd.s32 $0xFFFFC000  }
0x68: {  	_ =	swait.ge [sflag:s26], $0x4000  }
0x69: {  	[sflag:s26] =	ssyncset.done $0x0  }
0x6a: {  	[sflag:s26] =	ssyncadd.s32 $0xFFFFC000  }
0x6b: {  	_ =	swait.ge [sflag:s26], $0x4000  }
0x6c: {  	[sflag:s26] =	ssyncset.done $0x0  }
0x6d: {  	s1 =	sadd.s32 $0x200, s30;
	[sflag:s26] =	ssyncadd.s32 $0xFFFFC000  }
0x6e: {  	[tilespmem:s15], [sflag:$0x1] =	stream.indirect.gather [hbm4b:s4+s14], $0x40, s1, s14, $0xb8;
	[tilespmem:$0x13200] =	vst v63  }
0x6f: {  	s1 =	sadd.s32 $0x1B00, s30  }
0x70: {  	[tilespmem:s16], [sflag:$0x1] =	stream.indirect.gather [hbm4b:s2+s14], $0x40, s1, s14, $0xb8;
	[tilespmem:$0x13200] =	vst v63  }
0x71: {  	s1 =	sadd.s32 $0x280, s30  }
0x72: {  	[tilespmem:s17], [sflag:$0x1] =	stream.indirect.gather [hbm4b:s4+s14], $0x40, s1, s14, $0xb8;
	[tilespmem:$0x13200] =	vst v63  }
0x73: {  	s1 =	sadd.s32 $0x1B80, s30  }
0x74: {  	[tilespmem:s19], [sflag:$0x1] =	stream.indirect.gather [hbm4b:s2+s14], $0x40, s1, s14, $0xb8;
	[tilespmem:$0x13200] =	vst v63  }
0x75: {  	s1 =	sadd.s32 $0xFFFFFFF8, s29  }
0x76: {  	[hbm4b:s1+s25] =	stream.strided.scatter [tilespmem:s20], [sflag:$0x2], $0x4000, s14, s25, $0x38;
	[tilespmem:$0x13200] =	vst v63  }
0x77: {  	_ = 	snop  }
0x78: {  	[hbm4b:s29+s25] =	stream.strided.scatter [tilespmem:s21], [sflag:$0x2], $0x4000, s14, s25, $0x38;
	[tilespmem:$0x13200] =	vst v63  }
.Ltmp0:
0x79: {  	_ =	swait.ge [sflag:s26], $0x4000;
	(pc) =	sbr.rel @p0 .LBB2_2-.Ltmp0, $4  }
0x7a: {  	[sflag:s26] =	ssyncset.done $0x0  }
0x7b: {  	[sflag:s26] =	ssyncadd.s32 $0xFFFFC000  }
0x7c: {  	s31 =	sadd.s32 $0x2000, s31;
	s29 =	sadd.s32 $0x2000, s29;
	_ =	swait.ge [sflag:s26], $0x4000  }
0x7d: {  	s30 =	sshra.s32 s0, $0x2;
	s1 =	smov.u32 s18;
	[sflag:s26] =	ssyncset.done $0x0  }
0x7e: {  	s0 =	sadd.s32 $0x100, s30;
	[sflag:s26] =	ssyncadd.s32 $0xFFFFC000  }
0x7f: {  	[tilespmem:s20], [sflag:$0x1] =	stream.indirect.gather [hbm4b:s4+s14], $0x40, s0, s14, $0xb8;
	[tilespmem:$0x13200] =	vst v63  }
0x80: {  	s18 =	sadd.s32 $0x1A00, s30  }
0x81: {  	[tilespmem:s21], [sflag:$0x1] =	stream.indirect.gather [hbm4b:s2+s14], $0x40, s18, s14, $0xb8;
	[tilespmem:$0x13200] =	vst v63  }
0x82: {  	s1 =	sadd.s32 $0x180, s30  }
0x83: {  	[tilespmem:s22], [sflag:$0x1] =	stream.indirect.gather [hbm4b:s4+s14], $0x40, s1, s14, $0xb8;
	[tilespmem:$0x13200] =	vst v63  }
0x84: {  	s5 =	sadd.s32 $0x1A80, s30  }
0x85: {  	[tilespmem:s23], [sflag:$0x1] =	stream.indirect.gather [hbm4b:s2+s14], $0x40, s5, s14, $0xb8;
	[tilespmem:$0x13200] =	vst v63  }
0x86: {  	_ =	swait.ge [sflag:s24], $0x4000  }
0x87: {  	[sflag:s24] =	ssyncset.done $0x0  }
0x88: {  	[sflag:s24] =	ssyncadd.s32 $0xFFFFC000  }
0x89: {  	_ =	swait.ge [sflag:s24], $0x4000  }
0x8a: {  	[sflag:s24] =	ssyncset.done $0x0  }
0x8b: {  	s18 =	sadd.s32 $0xFFFFFFF8, s31;
	[sflag:s24] =	ssyncadd.s32 $0xFFFFC000  }
0x8c: {  	[hbm4b:s18+s25] =	stream.strided.scatter [tilespmem:s15], [sflag:$0x2], $0x4000, s14, s25, $0x38;
	[tilespmem:$0x13200] =	vst v63  }
0x8d: {  	_ = 	snop  }
0x8e: {  	[hbm4b:s31+s25] =	stream.strided.scatter [tilespmem:s16], [sflag:$0x2], $0x4000, s14, s25, $0x38;
	[tilespmem:$0x13200] =	vst v63  }
0x8f: {  	_ =	swait.ge [sflag:s24], $0x4000  }
0x90: {  	[sflag:s24] =	ssyncset.done $0x0  }
0x91: {  	[sflag:s24] =	ssyncadd.s32 $0xFFFFC000  }
0x92: {  	_ =	swait.ge [sflag:s24], $0x4000  }
0x93: {  	[sflag:s24] =	ssyncset.done $0x0  }
0x94: {  	[sflag:s24] =	ssyncadd.s32 $0xFFFFC000  }
0x95: {  	_ =	swait.ge [sflag:s26], $0x4000  }
0x96: {  	[sflag:s26] =	ssyncset.done $0x0  }
0x97: {  	[sflag:s26] =	ssyncadd.s32 $0xFFFFC000  }
0x98: {  	_ =	swait.ge [sflag:s26], $0x4000  }
0x99: {  	[sflag:s26] =	ssyncset.done $0x0  }
0x9a: {  	s1 =	sadd.s32 $0x200, s30;
	[sflag:s26] =	ssyncadd.s32 $0xFFFFC000  }
0x9b: {  	[tilespmem:s15], [sflag:$0x1] =	stream.indirect.gather [hbm4b:s4+s14], $0x40, s1, s14, $0xb8;
	[tilespmem:$0x13200] =	vst v63  }
0x9c: {  	s5 =	sadd.s32 $0x1B00, s30  }
0x9d: {  	[tilespmem:s16], [sflag:$0x1] =	stream.indirect.gather [hbm4b:s2+s14], $0x40, s5, s14, $0xb8;
	[tilespmem:$0x13200] =	vst v63  }
0x9e: {  	s18 =	sadd.s32 $0x280, s30  }
0x9f: {  	[tilespmem:s17], [sflag:$0x1] =	stream.indirect.gather [hbm4b:s4+s14], $0x40, s18, s14, $0xb8;
	[tilespmem:$0x13200] =	vst v63  }
0xa0: {  	s30 =	sadd.s32 $0x1B80, s30  }
0xa1: {  	[tilespmem:s19], [sflag:$0x1] =	stream.indirect.gather [hbm4b:s2+s14], $0x40, s30, s14, $0xb8;
	[tilespmem:$0x13200] =	vst v63  }
0xa2: {  	s31 =	sadd.s32 $0xFFFFFFF8, s29  }
0xa3: {  	[hbm4b:s31+s25] =	stream.strided.scatter [tilespmem:s20], [sflag:$0x2], $0x4000, s14, s25, $0x38;
	[tilespmem:$0x13200] =	vst v63  }
0xa4: {  	_ = 	snop  }
0xa5: {  	[hbm4b:s29+s25] =	stream.strided.scatter [tilespmem:s21], [sflag:$0x2], $0x4000, s14, s25, $0x38;
	[tilespmem:$0x13200] =	vst v63  }
0xa6: {  	_ =	swait.ge [sflag:s26], $0x4000  }
0xa7: {  	[sflag:s26] =	ssyncset.done $0x0  }
0xa8: {  	[sflag:s26] =	ssyncadd.s32 $0xFFFFC000  }
0xa9: {  	_ =	swait.ge [sflag:s26], $0x4000  }
0xaa: {  	[sflag:s26] =	ssyncset.done $0x0  }
0xab: {  	[sflag:s26] =	ssyncadd.s32 $0xFFFFC000  }
0xac: {  	_ =	swait.ge [sflag:s24], $0x4000  }
0xad: {  	[sflag:s24] =	ssyncset.done $0x0  }
0xae: {  	[sflag:s24] =	ssyncadd.s32 $0xFFFFC000  }
0xaf: {  	_ =	swait.ge [sflag:s24], $0x4000  }
0xb0: {  	[sflag:s24] =	ssyncset.done $0x0  }
0xb1: {  	[sflag:s24] =	ssyncadd.s32 $0xFFFFC000  }
0xb2: {  	[hbm4b:s7+s25] =	stream.strided.scatter [tilespmem:s15], [sflag:$0x2], $0x4000, s14, s25, $0x38;
	[tilespmem:$0x13200] =	vst v63  }
0xb3: {  	s28 =	sadd.s32 $0x1, s28  }
0xb4: {  	[hbm4b:s8+s25] =	stream.strided.scatter [tilespmem:s16], [sflag:$0x2], $0x4000, s14, s25, $0x38;
	[tilespmem:$0x13200] =	vst v63  }
0xb5: {  	p0 =	sne.s32 s28, s9;
	_ =	swait.ge [sflag:s26], $0x4000  }
.Ltmp1:
0xb6: {  	[sflag:s26] =	ssyncset.done $0x0;
	(pc) =	sbr.rel @p0 .LBB2_1-.Ltmp1, $4  }
0xb7: {  	[sflag:s26] =	ssyncadd.s32 $0xFFFFC000  }
0xb8: {  	_ =	swait.ge [sflag:s26], $0x4000  }
0xb9: {  	[sflag:s26] =	ssyncset.done $0x0  }
0xba: {  	[sflag:s26] =	ssyncadd.s32 $0xFFFFC000  }
0xbb: {  	_ =	sfence.sel $0x180000  }
0xbc: {  	[bflag:$0x0] =	sbarrier.arrive $0xFFFF  }
0xbd: {  	_ =	strace $0x90000047  }
0xbe: {  	s0 =	stileid.u32;
	[bflag:$0x2] =	sbarrier.arrive $0xFFFF  }
0xbf: {  	p0 =	sne.s32 s0, $0x0;
	s0 =	rddreg [dreg:$0x2]  }
0xc0: {  	s0 =	sadd.s32 @!p0 $0x100000, s0  }
0xc1: {  	[sflag:s0] =	ssyncadd.tile.s32 @!p0 $0x1;
	_ =	shalt  }
.Lfunc_end2:
_tile_overlayer_lowered:
.L_overlay_start_2:
0xc2: {  	(tag) =	ssettag $0x2  }
0xc3: {  	s0 =	rddreg [dreg:$0x0];
	s2 =	stileid.u32  }
0xc4: {  	s1 =	rddreg [dreg:$0x1];
	p0 =	sne.s32 s2, $0x0  }
0xc5: {  	s3 =	rddreg [dreg:$0x2];
	[bflag:$0x3] =	sbarrier.arrive $0xFFFF;
	s2 =	simm.s32 @!p0 $0x1C03  }
0xc6: {  	[timem:s3], [sflag:s2] =	dma.local @!p0 [hbm:s0], s1  }
0xc7: {  	s0 =	simm.s32 @!p0 $0x3  }
0xc8: {  	_ =	swait.ge @!p0 [sflag:s0], s1  }
0xc9: {  	s1 =	ssub.s32 @!p0 $0x0, s1;
	[sflag:s0] =	ssyncset.done @!p0 $0x0  }
0xca: {  	[sflag:s0] =	ssyncadd.s32 @!p0 s1  }
0xcb: {  	[bflag:$0x3] =	sbarrier.arrive $0xFFFF  }
0xcc: {  	_ =	shalt  }

</sc_bundles>
